<compile_context>
chip_gen: v7x
topology: tpu7x:2x2x1
jax: 0.10.2.dev20260603
libtpu: 0.0.44.dev20260713+nightly
codegen_flags: <defaults>
</compile_context>

<pallas_src>
import functools

import jax
import jax.numpy as jnp
from jax import lax
from jax.experimental import pallas as pl
from jax.experimental.pallas import tpu as pltpu
from jax.experimental.pallas import tpu_sc as plsc

S = 8192
B = 4
D = 1024
NC = 2
NSUB = 16
NW = NC * NSUB
S_PER_W = S // NW
NS_CHUNK = 8
ROWS = NS_CHUNK * B
SLOT = ROWS + NS_CHUNK
N_CHUNKS = S_PER_W // NS_CHUNK
LANES = 16
NBUF = 3

_mesh = plsc.VectorSubcoreMesh(core_axis_name="c", subcore_axis_name="s")


@functools.partial(
    pl.kernel,
    mesh=_mesh,
    out_type=jax.ShapeDtypeStruct((S, B, D), jnp.float32),
    scratch_types=[
        pltpu.VMEM((B, S_PER_W), jnp.int32),
        pltpu.VMEM((NBUF, SLOT, D), jnp.float32),
        pltpu.SemaphoreType.DMA((NBUF,)),
        pltpu.SemaphoreType.DMA((NBUF,)),
    ],
)
def _embed(x_hbm, tok_hbm, pos_hbm, out_hbm, idx_v, buf_v, gsem, osem):
    wid = lax.axis_index("s") * NC + lax.axis_index("c")
    sbase = wid * S_PER_W
    for bb in range(B):
        pltpu.sync_copy(x_hbm.at[pl.ds(bb * S + sbase, S_PER_W)],
                        idx_v.at[bb])

    def in_issue(g):
        b = lax.rem(g, NBUF)
        for bb in range(B):
            pltpu.async_copy(
                tok_hbm.at[idx_v.at[bb, pl.ds(g * NS_CHUNK, NS_CHUNK)]],
                buf_v.at[b, pl.ds(bb * NS_CHUNK, NS_CHUNK)], gsem.at[b])
        pltpu.async_copy(
            pos_hbm.at[pl.ds(sbase + g * NS_CHUNK, NS_CHUNK)],
            buf_v.at[b, pl.ds(ROWS, NS_CHUNK)], gsem.at[b])

    def in_wait(g):
        b = lax.rem(g, NBUF)
        pltpu.make_async_copy(
            tok_hbm.at[pl.ds(0, SLOT)], buf_v.at[b], gsem.at[b]).wait()

    def out_issue(g):
        b = lax.rem(g, NBUF)
        for bb in range(B):
            pltpu.async_copy(
                buf_v.at[b, pl.ds(bb * NS_CHUNK, NS_CHUNK)],
                out_hbm.at[pl.ds(sbase + g * NS_CHUNK, NS_CHUNK), bb],
                osem.at[b])

    def out_wait(g):
        b = lax.rem(g, NBUF)
        pltpu.make_async_copy(
            buf_v.at[b, pl.ds(0, ROWS)],
            out_hbm.at[pl.ds(sbase + g * NS_CHUNK, NS_CHUNK)],
            osem.at[b]).wait()

    def add_chunk(g):
        b = lax.rem(g, NBUF)
        buf_s = buf_v.at[b]

        def col(c, c3):
            sl = pl.ds(c * LANES, LANES)
            for i in range(NS_CHUNK):
                p = buf_s[ROWS + i, sl]
                for bb in range(B):
                    buf_s[bb * NS_CHUNK + i, sl] += p
            return c3

        lax.fori_loop(0, D // LANES, col, 0)

    for g in range(NBUF - 1):
        in_issue(g)

    UNROLL = 1

    def body(j, carry):
        for u in range(UNROLL):
            g = j * UNROLL + u

            in_wait(g)
            add_chunk(g)
            out_issue(g)

            @pl.when(jnp.logical_and(g + NBUF - 1 < N_CHUNKS, g >= 1))
            def _():
                out_wait(g - 1)

            @pl.when(g + NBUF - 1 < N_CHUNKS)
            def _():
                in_issue(g + NBUF - 1)
        return carry

    lax.fori_loop(0, N_CHUNKS // UNROLL, body, 0)
    for g in range(N_CHUNKS - NBUF, N_CHUNKS):
        out_wait(g)


def kernel(x, token_table, pos_table):
    xt_flat = x.T.reshape(-1)
    out = _embed(xt_flat, token_table, pos_table)
    return out, x.shape[0]

# --- scband reference (transcript-rebuilt; emitter-appended) ---
"""Pipeline reference for scband-transformer-embedder-10204842295872 (READ-ONLY COPY).

The authoritative reference and input builder live on the scoring server;
editing this copy changes nothing except your own understanding.
"""

import jax, jax.numpy as jnp
import numpy as np

SEQ_LEN = 8192
BATCH = 4
NUM_EMBED = 100000
NUM_POS = 8192
EMBED_DIM = 1024


def setup_inputs(seed: int = 0) -> dict:
    key = jax.random.key(seed)
    k1, k2, k3 = jax.random.split(key, 3)
    x = jax.random.randint(k1, (SEQ_LEN, BATCH), 0, NUM_EMBED, dtype=jnp.int64 if jax.config.jax_enable_x64 else jnp.int32).astype(jnp.int32)
    token_table = jax.random.normal(k2, (NUM_EMBED, EMBED_DIM), dtype=jnp.float32) * 0.02
    pos_table = jax.random.normal(k3, (NUM_POS, EMBED_DIM), dtype=jnp.float32) * 0.02
    return {"x": x, "token_table": token_table, "pos_table": pos_table}


def reference(x, token_table, pos_table):
    # x: int[S, B] token ids (mimics output of to_input_tensor)
    seq_len = x.shape[0]
    positions = jnp.arange(seq_len)[:, None]  # [S, 1]
    h = jnp.take(token_table, x, axis=0)  # [S, B, D]
    pos_emb = jnp.take(pos_table, positions, axis=0)  # [S, 1, D]
    h = h + jnp.broadcast_to(pos_emb, h.shape)
    # dropout is identity in eval/reference mode
    return (h, seq_len)

if __name__ == "__main__":
    import jax
    _d = setup_inputs()
    print(jax.jit(kernel)(*tuple(_d.values())))

</pallas_src>

<mosaic_0001>
#map = affine_map<(d0, d1) -> (0)>
#map1 = affine_map<(d0, d1) -> (0, 0)>
#map2 = affine_map<(d0, d1) -> (0, 0, 0)>
module attributes {stable_mosaic.version = 14 : i64} {
  func.func @_embed(%arg0: i32, %arg1: i32, %arg2: memref<32768xi32, #tpu.memory_space<hbm>>, %arg3: memref<100000x1024xf32, #tpu.memory_space<hbm>>, %arg4: memref<8192x1024xf32, #tpu.memory_space<hbm>>, %arg5: memref<8192x4x1024xf32, #tpu.memory_space<hbm>>, %arg6: memref<4x256xi32, #tpu.memory_space<vmem>>, %arg7: memref<3x40x1024xf32, #tpu.memory_space<vmem>>, %arg8: memref<3x!tpu.dma_semaphore, #tpu.memory_space<semaphore_mem>>, %arg9: memref<3x!tpu.dma_semaphore, #tpu.memory_space<semaphore_mem>>) attributes {dimension_semantics = [#tpu.dimension_semantics<core_parallel>, #tpu.dimension_semantics<subcore_parallel>], iteration_bounds = array<i64: 2, 16>, scalar_prefetch = 0 : i64, scratch_operands = 4 : i64, tpu.core_type = #tpu.core_type<sc_vector_subcore>, window_params = [{transform_indices = #map}, {transform_indices = #map1}, {transform_indices = #map1}, {transform_indices = #map2}]} {
    %mul3A = arith.constant 2 : i32
    %mul3A_0 = arith.muli %arg1, %mul3A : i32
    %add3A = arith.addi %mul3A_0, %arg0 : i32
    %mul3A_1 = arith.constant 256 : i32
    %mul3A_2 = arith.muli %add3A, %mul3A_1 : i32
    %add3A_3 = arith.constant 0 : i32
    %add3A_4 = arith.addi %add3A_3, %mul3A_2 : i32
    %run_scoped3A = arith.constant 0 : i32
    "tpu.region"() ({
      %run_scoped3A_221 = tpu.sem_alloc : memref<!tpu.dma_semaphore, #tpu.memory_space<semaphore_mem>>
      %dma_start3A_222 = arith.constant 0 : i32
      %dma_start3A_223 = tpu.memref_slice %arg6[%run_scoped3A, %dma_start3A_222] : memref<4x256xi32, #tpu.memory_space<vmem>> -> memref<1x256xi32, #tpu.memory_space<vmem>>
      %dma_start3A_224 = tpu.memref_squeeze %dma_start3A_223 : memref<1x256xi32, #tpu.memory_space<vmem>> -> memref<256xi32, #tpu.memory_space<vmem>>
      %dma_start3A_225 = tpu.memref_slice %arg2[%add3A_4] : memref<32768xi32, #tpu.memory_space<hbm>> -> memref<256xi32, #tpu.memory_space<hbm>>
      %dma_start3A_226 = arith.constant 0 : i32
      %dma_start3A_227 = tpu.memref_slice %arg6[%run_scoped3A, %dma_start3A_226] : memref<4x256xi32, #tpu.memory_space<vmem>> -> memref<1x256xi32, #tpu.memory_space<vmem>>
      %dma_start3A_228 = tpu.memref_squeeze %dma_start3A_227 : memref<1x256xi32, #tpu.memory_space<vmem>> -> memref<256xi32, #tpu.memory_space<vmem>>
      %dma_start3A_229 = tpu.memref_slice %arg2[%add3A_4] : memref<32768xi32, #tpu.memory_space<hbm>> -> memref<256xi32, #tpu.memory_space<hbm>>
      tpu.enqueue_dma source(%dma_start3A_229 : memref<256xi32, #tpu.memory_space<hbm>>) target(%dma_start3A_228 : memref<256xi32, #tpu.memory_space<vmem>>) target_semaphore(%run_scoped3A_221 : memref<!tpu.dma_semaphore, #tpu.memory_space<semaphore_mem>>)
      %dma_wait3A_230 = arith.constant 0 : i32
      %dma_wait3A_231 = tpu.memref_slice %arg6[%run_scoped3A, %dma_wait3A_230] : memref<4x256xi32, #tpu.memory_space<vmem>> -> memref<1x256xi32, #tpu.memory_space<vmem>>
      %dma_wait3A_232 = tpu.memref_squeeze %dma_wait3A_231 : memref<1x256xi32, #tpu.memory_space<vmem>> -> memref<256xi32, #tpu.memory_space<vmem>>
      %dma_wait3A_233 = tpu.memref_slice %arg2[%add3A_4] : memref<32768xi32, #tpu.memory_space<hbm>> -> memref<256xi32, #tpu.memory_space<hbm>>
      %dma_wait3A_234 = arith.constant 0 : i32
      %dma_wait3A_235 = tpu.memref_slice %arg6[%run_scoped3A, %dma_wait3A_234] : memref<4x256xi32, #tpu.memory_space<vmem>> -> memref<1x256xi32, #tpu.memory_space<vmem>>
      %dma_wait3A_236 = tpu.memref_squeeze %dma_wait3A_235 : memref<1x256xi32, #tpu.memory_space<vmem>> -> memref<256xi32, #tpu.memory_space<vmem>>
      %dma_wait3A_237 = tpu.memref_slice %arg2[%add3A_4] : memref<32768xi32, #tpu.memory_space<hbm>> -> memref<256xi32, #tpu.memory_space<hbm>>
      tpu.wait_dma2 semaphore(%run_scoped3A_221 : memref<!tpu.dma_semaphore, #tpu.memory_space<semaphore_mem>>) src(%dma_wait3A_237 : memref<256xi32, #tpu.memory_space<hbm>>) dst(%dma_wait3A_236 : memref<256xi32, #tpu.memory_space<vmem>>)
      tpu.yield
    }) : () -> ()
    %add3A_5 = arith.constant 8192 : i32
    %add3A_6 = arith.addi %add3A_5, %mul3A_2 : i32
    %run_scoped3A_7 = arith.constant 1 : i32
    "tpu.region"() ({
      %run_scoped3A_221 = tpu.sem_alloc : memref<!tpu.dma_semaphore, #tpu.memory_space<semaphore_mem>>
      %dma_start3A_222 = arith.constant 0 : i32
      %dma_start3A_223 = tpu.memref_slice %arg6[%run_scoped3A_7, %dma_start3A_222] : memref<4x256xi32, #tpu.memory_space<vmem>> -> memref<1x256xi32, #tpu.memory_space<vmem>>
      %dma_start3A_224 = tpu.memref_squeeze %dma_start3A_223 : memref<1x256xi32, #tpu.memory_space<vmem>> -> memref<256xi32, #tpu.memory_space<vmem>>
      %dma_start3A_225 = tpu.memref_slice %arg2[%add3A_6] : memref<32768xi32, #tpu.memory_space<hbm>> -> memref<256xi32, #tpu.memory_space<hbm>>
      %dma_start3A_226 = arith.constant 0 : i32
      %dma_start3A_227 = tpu.memref_slice %arg6[%run_scoped3A_7, %dma_start3A_226] : memref<4x256xi32, #tpu.memory_space<vmem>> -> memref<1x256xi32, #tpu.memory_space<vmem>>
      %dma_start3A_228 = tpu.memref_squeeze %dma_start3A_227 : memref<1x256xi32, #tpu.memory_space<vmem>> -> memref<256xi32, #tpu.memory_space<vmem>>
      %dma_start3A_229 = tpu.memref_slice %arg2[%add3A_6] : memref<32768xi32, #tpu.memory_space<hbm>> -> memref<256xi32, #tpu.memory_space<hbm>>
      tpu.enqueue_dma source(%dma_start3A_229 : memref<256xi32, #tpu.memory_space<hbm>>) target(%dma_start3A_228 : memref<256xi32, #tpu.memory_space<vmem>>) target_semaphore(%run_scoped3A_221 : memref<!tpu.dma_semaphore, #tpu.memory_space<semaphore_mem>>)
      %dma_wait3A_230 = arith.constant 0 : i32
      %dma_wait3A_231 = tpu.memref_slice %arg6[%run_scoped3A_7, %dma_wait3A_230] : memref<4x256xi32, #tpu.memory_space<vmem>> -> memref<1x256xi32, #tpu.memory_space<vmem>>
      %dma_wait3A_232 = tpu.memref_squeeze %dma_wait3A_231 : memref<1x256xi32, #tpu.memory_space<vmem>> -> memref<256xi32, #tpu.memory_space<vmem>>
      %dma_wait3A_233 = tpu.memref_slice %arg2[%add3A_6] : memref<32768xi32, #tpu.memory_space<hbm>> -> memref<256xi32, #tpu.memory_space<hbm>>
      %dma_wait3A_234 = arith.constant 0 : i32
      %dma_wait3A_235 = tpu.memref_slice %arg6[%run_scoped3A_7, %dma_wait3A_234] : memref<4x256xi32, #tpu.memory_space<vmem>> -> memref<1x256xi32, #tpu.memory_space<vmem>>
      %dma_wait3A_236 = tpu.memref_squeeze %dma_wait3A_235 : memref<1x256xi32, #tpu.memory_space<vmem>> -> memref<256xi32, #tpu.memory_space<vmem>>
      %dma_wait3A_237 = tpu.memref_slice %arg2[%add3A_6] : memref<32768xi32, #tpu.memory_space<hbm>> -> memref<256xi32, #tpu.memory_space<hbm>>
      tpu.wait_dma2 semaphore(%run_scoped3A_221 : memref<!tpu.dma_semaphore, #tpu.memory_space<semaphore_mem>>) src(%dma_wait3A_237 : memref<256xi32, #tpu.memory_space<hbm>>) dst(%dma_wait3A_236 : memref<256xi32, #tpu.memory_space<vmem>>)
      tpu.yield
    }) : () -> ()
    %add3A_8 = arith.constant 16384 : i32
    %add3A_9 = arith.addi %add3A_8, %mul3A_2 : i32
    %run_scoped3A_10 = arith.constant 2 : i32
    "tpu.region"() ({
      %run_scoped3A_221 = tpu.sem_alloc : memref<!tpu.dma_semaphore, #tpu.memory_space<semaphore_mem>>
      %dma_start3A_222 = arith.constant 0 : i32
      %dma_start3A_223 = tpu.memref_slice %arg6[%run_scoped3A_10, %dma_start3A_222] : memref<4x256xi32, #tpu.memory_space<vmem>> -> memref<1x256xi32, #tpu.memory_space<vmem>>
      %dma_start3A_224 = tpu.memref_squeeze %dma_start3A_223 : memref<1x256xi32, #tpu.memory_space<vmem>> -> memref<256xi32, #tpu.memory_space<vmem>>
      %dma_start3A_225 = tpu.memref_slice %arg2[%add3A_9] : memref<32768xi32, #tpu.memory_space<hbm>> -> memref<256xi32, #tpu.memory_space<hbm>>
      %dma_start3A_226 = arith.constant 0 : i32
      %dma_start3A_227 = tpu.memref_slice %arg6[%run_scoped3A_10, %dma_start3A_226] : memref<4x256xi32, #tpu.memory_space<vmem>> -> memref<1x256xi32, #tpu.memory_space<vmem>>
      %dma_start3A_228 = tpu.memref_squeeze %dma_start3A_227 : memref<1x256xi32, #tpu.memory_space<vmem>> -> memref<256xi32, #tpu.memory_space<vmem>>
      %dma_start3A_229 = tpu.memref_slice %arg2[%add3A_9] : memref<32768xi32, #tpu.memory_space<hbm>> -> memref<256xi32, #tpu.memory_space<hbm>>
      tpu.enqueue_dma source(%dma_start3A_229 : memref<256xi32, #tpu.memory_space<hbm>>) target(%dma_start3A_228 : memref<256xi32, #tpu.memory_space<vmem>>) target_semaphore(%run_scoped3A_221 : memref<!tpu.dma_semaphore, #tpu.memory_space<semaphore_mem>>)
      %dma_wait3A_230 = arith.constant 0 : i32
      %dma_wait3A_231 = tpu.memref_slice %arg6[%run_scoped3A_10, %dma_wait3A_230] : memref<4x256xi32, #tpu.memory_space<vmem>> -> memref<1x256xi32, #tpu.memory_space<vmem>>
      %dma_wait3A_232 = tpu.memref_squeeze %dma_wait3A_231 : memref<1x256xi32, #tpu.memory_space<vmem>> -> memref<256xi32, #tpu.memory_space<vmem>>
      %dma_wait3A_233 = tpu.memref_slice %arg2[%add3A_9] : memref<32768xi32, #tpu.memory_space<hbm>> -> memref<256xi32, #tpu.memory_space<hbm>>
      %dma_wait3A_234 = arith.constant 0 : i32
      %dma_wait3A_235 = tpu.memref_slice %arg6[%run_scoped3A_10, %dma_wait3A_234] : memref<4x256xi32, #tpu.memory_space<vmem>> -> memref<1x256xi32, #tpu.memory_space<vmem>>
      %dma_wait3A_236 = tpu.memref_squeeze %dma_wait3A_235 : memref<1x256xi32, #tpu.memory_space<vmem>> -> memref<256xi32, #tpu.memory_space<vmem>>
      %dma_wait3A_237 = tpu.memref_slice %arg2[%add3A_9] : memref<32768xi32, #tpu.memory_space<hbm>> -> memref<256xi32, #tpu.memory_space<hbm>>
      tpu.wait_dma2 semaphore(%run_scoped3A_221 : memref<!tpu.dma_semaphore, #tpu.memory_space<semaphore_mem>>) src(%dma_wait3A_237 : memref<256xi32, #tpu.memory_space<hbm>>) dst(%dma_wait3A_236 : memref<256xi32, #tpu.memory_space<vmem>>)
      tpu.yield
    }) : () -> ()
    %add3A_11 = arith.constant 24576 : i32
    %add3A_12 = arith.addi %add3A_11, %mul3A_2 : i32
    %run_scoped3A_13 = arith.constant 3 : i32
    "tpu.region"() ({
      %run_scoped3A_221 = tpu.sem_alloc : memref<!tpu.dma_semaphore, #tpu.memory_space<semaphore_mem>>
      %dma_start3A_222 = arith.constant 0 : i32
      %dma_start3A_223 = tpu.memref_slice %arg6[%run_scoped3A_13, %dma_start3A_222] : memref<4x256xi32, #tpu.memory_space<vmem>> -> memref<1x256xi32, #tpu.memory_space<vmem>>
      %dma_start3A_224 = tpu.memref_squeeze %dma_start3A_223 : memref<1x256xi32, #tpu.memory_space<vmem>> -> memref<256xi32, #tpu.memory_space<vmem>>
      %dma_start3A_225 = tpu.memref_slice %arg2[%add3A_12] : memref<32768xi32, #tpu.memory_space<hbm>> -> memref<256xi32, #tpu.memory_space<hbm>>
      %dma_start3A_226 = arith.constant 0 : i32
      %dma_start3A_227 = tpu.memref_slice %arg6[%run_scoped3A_13, %dma_start3A_226] : memref<4x256xi32, #tpu.memory_space<vmem>> -> memref<1x256xi32, #tpu.memory_space<vmem>>
      %dma_start3A_228 = tpu.memref_squeeze %dma_start3A_227 : memref<1x256xi32, #tpu.memory_space<vmem>> -> memref<256xi32, #tpu.memory_space<vmem>>
      %dma_start3A_229 = tpu.memref_slice %arg2[%add3A_12] : memref<32768xi32, #tpu.memory_space<hbm>> -> memref<256xi32, #tpu.memory_space<hbm>>
      tpu.enqueue_dma source(%dma_start3A_229 : memref<256xi32, #tpu.memory_space<hbm>>) target(%dma_start3A_228 : memref<256xi32, #tpu.memory_space<vmem>>) target_semaphore(%run_scoped3A_221 : memref<!tpu.dma_semaphore, #tpu.memory_space<semaphore_mem>>)
      %dma_wait3A_230 = arith.constant 0 : i32
      %dma_wait3A_231 = tpu.memref_slice %arg6[%run_scoped3A_13, %dma_wait3A_230] : memref<4x256xi32, #tpu.memory_space<vmem>> -> memref<1x256xi32, #tpu.memory_space<vmem>>
      %dma_wait3A_232 = tpu.memref_squeeze %dma_wait3A_231 : memref<1x256xi32, #tpu.memory_space<vmem>> -> memref<256xi32, #tpu.memory_space<vmem>>
      %dma_wait3A_233 = tpu.memref_slice %arg2[%add3A_12] : memref<32768xi32, #tpu.memory_space<hbm>> -> memref<256xi32, #tpu.memory_space<hbm>>
      %dma_wait3A_234 = arith.constant 0 : i32
      %dma_wait3A_235 = tpu.memref_slice %arg6[%run_scoped3A_13, %dma_wait3A_234] : memref<4x256xi32, #tpu.memory_space<vmem>> -> memref<1x256xi32, #tpu.memory_space<vmem>>
      %dma_wait3A_236 = tpu.memref_squeeze %dma_wait3A_235 : memref<1x256xi32, #tpu.memory_space<vmem>> -> memref<256xi32, #tpu.memory_space<vmem>>
      %dma_wait3A_237 = tpu.memref_slice %arg2[%add3A_12] : memref<32768xi32, #tpu.memory_space<hbm>> -> memref<256xi32, #tpu.memory_space<hbm>>
      tpu.wait_dma2 semaphore(%run_scoped3A_221 : memref<!tpu.dma_semaphore, #tpu.memory_space<semaphore_mem>>) src(%dma_wait3A_237 : memref<256xi32, #tpu.memory_space<hbm>>) dst(%dma_wait3A_236 : memref<256xi32, #tpu.memory_space<vmem>>)
      tpu.yield
    }) : () -> ()
    %rem3A = arith.constant 0 : i32
    %rem3A_14 = arith.constant 3 : i32
    %rem3A_15 = arith.remsi %rem3A, %rem3A_14 : i32
    %dma_start3A = arith.constant 0 : i32
    %dma_start3A_16 = arith.constant 0 : i32
    %dma_start3A_17 = arith.constant 0 : i32
    %dma_start3A_18 = tpu.memref_slice %arg7[%rem3A_15, %dma_start3A_16, %dma_start3A_17] : memref<3x40x1024xf32, #tpu.memory_space<vmem>> -> memref<1x8x1024xf32, #tpu.memory_space<vmem>>
    %dma_start3A_19 = tpu.memref_squeeze %dma_start3A_18 : memref<1x8x1024xf32, #tpu.memory_space<vmem>> -> memref<8x1024xf32, #tpu.memory_space<vmem>>
    %dma_start3A_20 = arith.constant 0 : i32
    %dma_start3A_21 = tpu.memref_slice %arg6[%dma_start3A, %dma_start3A_20] : memref<4x256xi32, #tpu.memory_space<vmem>> -> memref<1x8xi32, #tpu.memory_space<vmem>>
    %dma_start3A_22 = tpu.memref_squeeze %dma_start3A_21 : memref<1x8xi32, #tpu.memory_space<vmem>> -> memref<8xi32, #tpu.memory_space<vmem>>
    %dma_start3A_23 = arith.constant 0 : i32
    %dma_start3A_24 = arith.constant 0 : i32
    %dma_start3A_25 = tpu.memref_slice %arg3[%dma_start3A_23, %dma_start3A_24] : memref<100000x1024xf32, #tpu.memory_space<hbm>> -> memref<100000x1024xf32, #tpu.memory_space<hbm>>
    %dma_start3A_26 = tpu.memref_slice %arg8[%rem3A_15] : memref<3x!tpu.dma_semaphore, #tpu.memory_space<semaphore_mem>> -> memref<1x!tpu.dma_semaphore, #tpu.memory_space<semaphore_mem>>
    %dma_start3A_27 = tpu.memref_squeeze %dma_start3A_26 : memref<1x!tpu.dma_semaphore, #tpu.memory_space<semaphore_mem>> -> memref<!tpu.dma_semaphore, #tpu.memory_space<semaphore_mem>>
    tpu.enqueue_indirect_dma source(%dma_start3A_25 : memref<100000x1024xf32, #tpu.memory_space<hbm>>) target(%dma_start3A_19 : memref<8x1024xf32, #tpu.memory_space<vmem>>) offsets(%dma_start3A_22 : memref<8xi32, #tpu.memory_space<vmem>>) semaphore(%dma_start3A_27 : memref<!tpu.dma_semaphore, #tpu.memory_space<semaphore_mem>>)
    %dma_start3A_28 = arith.constant 1 : i32
    %dma_start3A_29 = arith.constant 8 : i32
    %dma_start3A_30 = arith.constant 0 : i32
    %dma_start3A_31 = tpu.memref_slice %arg7[%rem3A_15, %dma_start3A_29, %dma_start3A_30] : memref<3x40x1024xf32, #tpu.memory_space<vmem>> -> memref<1x8x1024xf32, #tpu.memory_space<vmem>>
    %dma_start3A_32 = tpu.memref_squeeze %dma_start3A_31 : memref<1x8x1024xf32, #tpu.memory_space<vmem>> -> memref<8x1024xf32, #tpu.memory_space<vmem>>
    %dma_start3A_33 = arith.constant 0 : i32
    %dma_start3A_34 = tpu.memref_slice %arg6[%dma_start3A_28, %dma_start3A_33] : memref<4x256xi32, #tpu.memory_space<vmem>> -> memref<1x8xi32, #tpu.memory_space<vmem>>
    %dma_start3A_35 = tpu.memref_squeeze %dma_start3A_34 : memref<1x8xi32, #tpu.memory_space<vmem>> -> memref<8xi32, #tpu.memory_space<vmem>>
    %dma_start3A_36 = arith.constant 0 : i32
    %dma_start3A_37 = arith.constant 0 : i32
    %dma_start3A_38 = tpu.memref_slice %arg3[%dma_start3A_36, %dma_start3A_37] : memref<100000x1024xf32, #tpu.memory_space<hbm>> -> memref<100000x1024xf32, #tpu.memory_space<hbm>>
    %dma_start3A_39 = tpu.memref_slice %arg8[%rem3A_15] : memref<3x!tpu.dma_semaphore, #tpu.memory_space<semaphore_mem>> -> memref<1x!tpu.dma_semaphore, #tpu.memory_space<semaphore_mem>>
    %dma_start3A_40 = tpu.memref_squeeze %dma_start3A_39 : memref<1x!tpu.dma_semaphore, #tpu.memory_space<semaphore_mem>> -> memref<!tpu.dma_semaphore, #tpu.memory_space<semaphore_mem>>
    tpu.enqueue_indirect_dma source(%dma_start3A_38 : memref<100000x1024xf32, #tpu.memory_space<hbm>>) target(%dma_start3A_32 : memref<8x1024xf32, #tpu.memory_space<vmem>>) offsets(%dma_start3A_35 : memref<8xi32, #tpu.memory_space<vmem>>) semaphore(%dma_start3A_40 : memref<!tpu.dma_semaphore, #tpu.memory_space<semaphore_mem>>)
    %dma_start3A_41 = arith.constant 2 : i32
    %dma_start3A_42 = arith.constant 16 : i32
    %dma_start3A_43 = arith.constant 0 : i32
    %dma_start3A_44 = tpu.memref_slice %arg7[%rem3A_15, %dma_start3A_42, %dma_start3A_43] : memref<3x40x1024xf32, #tpu.memory_space<vmem>> -> memref<1x8x1024xf32, #tpu.memory_space<vmem>>
    %dma_start3A_45 = tpu.memref_squeeze %dma_start3A_44 : memref<1x8x1024xf32, #tpu.memory_space<vmem>> -> memref<8x1024xf32, #tpu.memory_space<vmem>>
    %dma_start3A_46 = arith.constant 0 : i32
    %dma_start3A_47 = tpu.memref_slice %arg6[%dma_start3A_41, %dma_start3A_46] : memref<4x256xi32, #tpu.memory_space<vmem>> -> memref<1x8xi32, #tpu.memory_space<vmem>>
    %dma_start3A_48 = tpu.memref_squeeze %dma_start3A_47 : memref<1x8xi32, #tpu.memory_space<vmem>> -> memref<8xi32, #tpu.memory_space<vmem>>
    %dma_start3A_49 = arith.constant 0 : i32
    %dma_start3A_50 = arith.constant 0 : i32
    %dma_start3A_51 = tpu.memref_slice %arg3[%dma_start3A_49, %dma_start3A_50] : memref<100000x1024xf32, #tpu.memory_space<hbm>> -> memref<100000x1024xf32, #tpu.memory_space<hbm>>
    %dma_start3A_52 = tpu.memref_slice %arg8[%rem3A_15] : memref<3x!tpu.dma_semaphore, #tpu.memory_space<semaphore_mem>> -> memref<1x!tpu.dma_semaphore, #tpu.memory_space<semaphore_mem>>
    %dma_start3A_53 = tpu.memref_squeeze %dma_start3A_52 : memref<1x!tpu.dma_semaphore, #tpu.memory_space<semaphore_mem>> -> memref<!tpu.dma_semaphore, #tpu.memory_space<semaphore_mem>>
    tpu.enqueue_indirect_dma source(%dma_start3A_51 : memref<100000x1024xf32, #tpu.memory_space<hbm>>) target(%dma_start3A_45 : memref<8x1024xf32, #tpu.memory_space<vmem>>) offsets(%dma_start3A_48 : memref<8xi32, #tpu.memory_space<vmem>>) semaphore(%dma_start3A_53 : memref<!tpu.dma_semaphore, #tpu.memory_space<semaphore_mem>>)
    %dma_start3A_54 = arith.constant 3 : i32
    %dma_start3A_55 = arith.constant 24 : i32
    %dma_start3A_56 = arith.constant 0 : i32
    %dma_start3A_57 = tpu.memref_slice %arg7[%rem3A_15, %dma_start3A_55, %dma_start3A_56] : memref<3x40x1024xf32, #tpu.memory_space<vmem>> -> memref<1x8x1024xf32, #tpu.memory_space<vmem>>
    %dma_start3A_58 = tpu.memref_squeeze %dma_start3A_57 : memref<1x8x1024xf32, #tpu.memory_space<vmem>> -> memref<8x1024xf32, #tpu.memory_space<vmem>>
    %dma_start3A_59 = arith.constant 0 : i32
    %dma_start3A_60 = tpu.memref_slice %arg6[%dma_start3A_54, %dma_start3A_59] : memref<4x256xi32, #tpu.memory_space<vmem>> -> memref<1x8xi32, #tpu.memory_space<vmem>>
    %dma_start3A_61 = tpu.memref_squeeze %dma_start3A_60 : memref<1x8xi32, #tpu.memory_space<vmem>> -> memref<8xi32, #tpu.memory_space<vmem>>
    %dma_start3A_62 = arith.constant 0 : i32
    %dma_start3A_63 = arith.constant 0 : i32
    %dma_start3A_64 = tpu.memref_slice %arg3[%dma_start3A_62, %dma_start3A_63] : memref<100000x1024xf32, #tpu.memory_space<hbm>> -> memref<100000x1024xf32, #tpu.memory_space<hbm>>
    %dma_start3A_65 = tpu.memref_slice %arg8[%rem3A_15] : memref<3x!tpu.dma_semaphore, #tpu.memory_space<semaphore_mem>> -> memref<1x!tpu.dma_semaphore, #tpu.memory_space<semaphore_mem>>
    %dma_start3A_66 = tpu.memref_squeeze %dma_start3A_65 : memref<1x!tpu.dma_semaphore, #tpu.memory_space<semaphore_mem>> -> memref<!tpu.dma_semaphore, #tpu.memory_space<semaphore_mem>>
    tpu.enqueue_indirect_dma source(%dma_start3A_64 : memref<100000x1024xf32, #tpu.memory_space<hbm>>) target(%dma_start3A_58 : memref<8x1024xf32, #tpu.memory_space<vmem>>) offsets(%dma_start3A_61 : memref<8xi32, #tpu.memory_space<vmem>>) semaphore(%dma_start3A_66 : memref<!tpu.dma_semaphore, #tpu.memory_space<semaphore_mem>>)
    %add3A_67 = arith.constant 0 : i32
    %add3A_68 = arith.addi %mul3A_2, %add3A_67 : i32
    %dma_start3A_69 = arith.constant 32 : i32
    %dma_start3A_70 = arith.constant 0 : i32
    %dma_start3A_71 = tpu.memref_slice %arg7[%rem3A_15, %dma_start3A_69, %dma_start3A_70] : memref<3x40x1024xf32, #tpu.memory_space<vmem>> -> memref<1x8x1024xf32, #tpu.memory_space<vmem>>
    %dma_start3A_72 = tpu.memref_squeeze %dma_start3A_71 : memref<1x8x1024xf32, #tpu.memory_space<vmem>> -> memref<8x1024xf32, #tpu.memory_space<vmem>>
    %dma_start3A_73 = arith.constant 0 : i32
    %dma_start3A_74 = tpu.memref_slice %arg4[%add3A_68, %dma_start3A_73] : memref<8192x1024xf32, #tpu.memory_space<hbm>> -> memref<8x1024xf32, #tpu.memory_space<hbm>>
    %dma_start3A_75 = tpu.memref_slice %arg8[%rem3A_15] : memref<3x!tpu.dma_semaphore, #tpu.memory_space<semaphore_mem>> -> memref<1x!tpu.dma_semaphore, #tpu.memory_space<semaphore_mem>>
    %dma_start3A_76 = tpu.memref_squeeze %dma_start3A_75 : memref<1x!tpu.dma_semaphore, #tpu.memory_space<semaphore_mem>> -> memref<!tpu.dma_semaphore, #tpu.memory_space<semaphore_mem>>
    %dma_start3A_77 = arith.constant 32 : i32
    %dma_start3A_78 = arith.constant 0 : i32
    %dma_start3A_79 = tpu.memref_slice %arg7[%rem3A_15, %dma_start3A_77, %dma_start3A_78] : memref<3x40x1024xf32, #tpu.memory_space<vmem>> -> memref<1x8x1024xf32, #tpu.memory_space<vmem>>
    %dma_start3A_80 = tpu.memref_squeeze %dma_start3A_79 : memref<1x8x1024xf32, #tpu.memory_space<vmem>> -> memref<8x1024xf32, #tpu.memory_space<vmem>>
    %dma_start3A_81 = arith.constant 0 : i32
    %dma_start3A_82 = tpu.memref_slice %arg4[%add3A_68, %dma_start3A_81] : memref<8192x1024xf32, #tpu.memory_space<hbm>> -> memref<8x1024xf32, #tpu.memory_space<hbm>>
    tpu.enqueue_dma source(%dma_start3A_82 : memref<8x1024xf32, #tpu.memory_space<hbm>>) target(%dma_start3A_80 : memref<8x1024xf32, #tpu.memory_space<vmem>>) target_semaphore(%dma_start3A_76 : memref<!tpu.dma_semaphore, #tpu.memory_space<semaphore_mem>>)
    %rem3A_83 = arith.constant 1 : i32
    %rem3A_84 = arith.constant 3 : i32
    %rem3A_85 = arith.remsi %rem3A_83, %rem3A_84 : i32
    %dma_start3A_86 = arith.constant 0 : i32
    %dma_start3A_87 = arith.constant 0 : i32
    %dma_start3A_88 = arith.constant 0 : i32
    %dma_start3A_89 = tpu.memref_slice %arg7[%rem3A_85, %dma_start3A_87, %dma_start3A_88] : memref<3x40x1024xf32, #tpu.memory_space<vmem>> -> memref<1x8x1024xf32, #tpu.memory_space<vmem>>
    %dma_start3A_90 = tpu.memref_squeeze %dma_start3A_89 : memref<1x8x1024xf32, #tpu.memory_space<vmem>> -> memref<8x1024xf32, #tpu.memory_space<vmem>>
    %dma_start3A_91 = arith.constant 8 : i32
    %dma_start3A_92 = tpu.memref_slice %arg6[%dma_start3A_86, %dma_start3A_91] : memref<4x256xi32, #tpu.memory_space<vmem>> -> memref<1x8xi32, #tpu.memory_space<vmem>>
    %dma_start3A_93 = tpu.memref_squeeze %dma_start3A_92 : memref<1x8xi32, #tpu.memory_space<vmem>> -> memref<8xi32, #tpu.memory_space<vmem>>
    %dma_start3A_94 = arith.constant 0 : i32
    %dma_start3A_95 = arith.constant 0 : i32
    %dma_start3A_96 = tpu.memref_slice %arg3[%dma_start3A_94, %dma_start3A_95] : memref<100000x1024xf32, #tpu.memory_space<hbm>> -> memref<100000x1024xf32, #tpu.memory_space<hbm>>
    %dma_start3A_97 = tpu.memref_slice %arg8[%rem3A_85] : memref<3x!tpu.dma_semaphore, #tpu.memory_space<semaphore_mem>> -> memref<1x!tpu.dma_semaphore, #tpu.memory_space<semaphore_mem>>
    %dma_start3A_98 = tpu.memref_squeeze %dma_start3A_97 : memref<1x!tpu.dma_semaphore, #tpu.memory_space<semaphore_mem>> -> memref<!tpu.dma_semaphore, #tpu.memory_space<semaphore_mem>>
    tpu.enqueue_indirect_dma source(%dma_start3A_96 : memref<100000x1024xf32, #tpu.memory_space<hbm>>) target(%dma_start3A_90 : memref<8x1024xf32, #tpu.memory_space<vmem>>) offsets(%dma_start3A_93 : memref<8xi32, #tpu.memory_space<vmem>>) semaphore(%dma_start3A_98 : memref<!tpu.dma_semaphore, #tpu.memory_space<semaphore_mem>>)
    %dma_start3A_99 = arith.constant 1 : i32
    %dma_start3A_100 = arith.constant 8 : i32
    %dma_start3A_101 = arith.constant 0 : i32
    %dma_start3A_102 = tpu.memref_slice %arg7[%rem3A_85, %dma_start3A_100, %dma_start3A_101] : memref<3x40x1024xf32, #tpu.memory_space<vmem>> -> memref<1x8x1024xf32, #tpu.memory_space<vmem>>
    %dma_start3A_103 = tpu.memref_squeeze %dma_start3A_102 : memref<1x8x1024xf32, #tpu.memory_space<vmem>> -> memref<8x1024xf32, #tpu.memory_space<vmem>>
    %dma_start3A_104 = arith.constant 8 : i32
    %dma_start3A_105 = tpu.memref_slice %arg6[%dma_start3A_99, %dma_start3A_104] : memref<4x256xi32, #tpu.memory_space<vmem>> -> memref<1x8xi32, #tpu.memory_space<vmem>>
    %dma_start3A_106 = tpu.memref_squeeze %dma_start3A_105 : memref<1x8xi32, #tpu.memory_space<vmem>> -> memref<8xi32, #tpu.memory_space<vmem>>
    %dma_start3A_107 = arith.constant 0 : i32
    %dma_start3A_108 = arith.constant 0 : i32
    %dma_start3A_109 = tpu.memref_slice %arg3[%dma_start3A_107, %dma_start3A_108] : memref<100000x1024xf32, #tpu.memory_space<hbm>> -> memref<100000x1024xf32, #tpu.memory_space<hbm>>
    %dma_start3A_110 = tpu.memref_slice %arg8[%rem3A_85] : memref<3x!tpu.dma_semaphore, #tpu.memory_space<semaphore_mem>> -> memref<1x!tpu.dma_semaphore, #tpu.memory_space<semaphore_mem>>
    %dma_start3A_111 = tpu.memref_squeeze %dma_start3A_110 : memref<1x!tpu.dma_semaphore, #tpu.memory_space<semaphore_mem>> -> memref<!tpu.dma_semaphore, #tpu.memory_space<semaphore_mem>>
    tpu.enqueue_indirect_dma source(%dma_start3A_109 : memref<100000x1024xf32, #tpu.memory_space<hbm>>) target(%dma_start3A_103 : memref<8x1024xf32, #tpu.memory_space<vmem>>) offsets(%dma_start3A_106 : memref<8xi32, #tpu.memory_space<vmem>>) semaphore(%dma_start3A_111 : memref<!tpu.dma_semaphore, #tpu.memory_space<semaphore_mem>>)
    %dma_start3A_112 = arith.constant 2 : i32
    %dma_start3A_113 = arith.constant 16 : i32
    %dma_start3A_114 = arith.constant 0 : i32
    %dma_start3A_115 = tpu.memref_slice %arg7[%rem3A_85, %dma_start3A_113, %dma_start3A_114] : memref<3x40x1024xf32, #tpu.memory_space<vmem>> -> memref<1x8x1024xf32, #tpu.memory_space<vmem>>
    %dma_start3A_116 = tpu.memref_squeeze %dma_start3A_115 : memref<1x8x1024xf32, #tpu.memory_space<vmem>> -> memref<8x1024xf32, #tpu.memory_space<vmem>>
    %dma_start3A_117 = arith.constant 8 : i32
    %dma_start3A_118 = tpu.memref_slice %arg6[%dma_start3A_112, %dma_start3A_117] : memref<4x256xi32, #tpu.memory_space<vmem>> -> memref<1x8xi32, #tpu.memory_space<vmem>>
    %dma_start3A_119 = tpu.memref_squeeze %dma_start3A_118 : memref<1x8xi32, #tpu.memory_space<vmem>> -> memref<8xi32, #tpu.memory_space<vmem>>
    %dma_start3A_120 = arith.constant 0 : i32
    %dma_start3A_121 = arith.constant 0 : i32
    %dma_start3A_122 = tpu.memref_slice %arg3[%dma_start3A_120, %dma_start3A_121] : memref<100000x1024xf32, #tpu.memory_space<hbm>> -> memref<100000x1024xf32, #tpu.memory_space<hbm>>
    %dma_start3A_123 = tpu.memref_slice %arg8[%rem3A_85] : memref<3x!tpu.dma_semaphore, #tpu.memory_space<semaphore_mem>> -> memref<1x!tpu.dma_semaphore, #tpu.memory_space<semaphore_mem>>
    %dma_start3A_124 = tpu.memref_squeeze %dma_start3A_123 : memref<1x!tpu.dma_semaphore, #tpu.memory_space<semaphore_mem>> -> memref<!tpu.dma_semaphore, #tpu.memory_space<semaphore_mem>>
    tpu.enqueue_indirect_dma source(%dma_start3A_122 : memref<100000x1024xf32, #tpu.memory_space<hbm>>) target(%dma_start3A_116 : memref<8x1024xf32, #tpu.memory_space<vmem>>) offsets(%dma_start3A_119 : memref<8xi32, #tpu.memory_space<vmem>>) semaphore(%dma_start3A_124 : memref<!tpu.dma_semaphore, #tpu.memory_space<semaphore_mem>>)
    %dma_start3A_125 = arith.constant 3 : i32
    %dma_start3A_126 = arith.constant 24 : i32
    %dma_start3A_127 = arith.constant 0 : i32
    %dma_start3A_128 = tpu.memref_slice %arg7[%rem3A_85, %dma_start3A_126, %dma_start3A_127] : memref<3x40x1024xf32, #tpu.memory_space<vmem>> -> memref<1x8x1024xf32, #tpu.memory_space<vmem>>
    %dma_start3A_129 = tpu.memref_squeeze %dma_start3A_128 : memref<1x8x1024xf32, #tpu.memory_space<vmem>> -> memref<8x1024xf32, #tpu.memory_space<vmem>>
    %dma_start3A_130 = arith.constant 8 : i32
    %dma_start3A_131 = tpu.memref_slice %arg6[%dma_start3A_125, %dma_start3A_130] : memref<4x256xi32, #tpu.memory_space<vmem>> -> memref<1x8xi32, #tpu.memory_space<vmem>>
    %dma_start3A_132 = tpu.memref_squeeze %dma_start3A_131 : memref<1x8xi32, #tpu.memory_space<vmem>> -> memref<8xi32, #tpu.memory_space<vmem>>
    %dma_start3A_133 = arith.constant 0 : i32
    %dma_start3A_134 = arith.constant 0 : i32
    %dma_start3A_135 = tpu.memref_slice %arg3[%dma_start3A_133, %dma_start3A_134] : memref<100000x1024xf32, #tpu.memory_space<hbm>> -> memref<100000x1024xf32, #tpu.memory_space<hbm>>
    %dma_start3A_136 = tpu.memref_slice %arg8[%rem3A_85] : memref<3x!tpu.dma_semaphore, #tpu.memory_space<semaphore_mem>> -> memref<1x!tpu.dma_semaphore, #tpu.memory_space<semaphore_mem>>
    %dma_start3A_137 = tpu.memref_squeeze %dma_start3A_136 : memref<1x!tpu.dma_semaphore, #tpu.memory_space<semaphore_mem>> -> memref<!tpu.dma_semaphore, #tpu.memory_space<semaphore_mem>>
    tpu.enqueue_indirect_dma source(%dma_start3A_135 : memref<100000x1024xf32, #tpu.memory_space<hbm>>) target(%dma_start3A_129 : memref<8x1024xf32, #tpu.memory_space<vmem>>) offsets(%dma_start3A_132 : memref<8xi32, #tpu.memory_space<vmem>>) semaphore(%dma_start3A_137 : memref<!tpu.dma_semaphore, #tpu.memory_space<semaphore_mem>>)
    %add3A_138 = arith.constant 8 : i32
    %add3A_139 = arith.addi %mul3A_2, %add3A_138 : i32
    %dma_start3A_140 = arith.constant 32 : i32
    %dma_start3A_141 = arith.constant 0 : i32
    %dma_start3A_142 = tpu.memref_slice %arg7[%rem3A_85, %dma_start3A_140, %dma_start3A_141] : memref<3x40x1024xf32, #tpu.memory_space<vmem>> -> memref<1x8x1024xf32, #tpu.memory_space<vmem>>
    %dma_start3A_143 = tpu.memref_squeeze %dma_start3A_142 : memref<1x8x1024xf32, #tpu.memory_space<vmem>> -> memref<8x1024xf32, #tpu.memory_space<vmem>>
    %dma_start3A_144 = arith.constant 0 : i32
    %dma_start3A_145 = tpu.memref_slice %arg4[%add3A_139, %dma_start3A_144] : memref<8192x1024xf32, #tpu.memory_space<hbm>> -> memref<8x1024xf32, #tpu.memory_space<hbm>>
    %dma_start3A_146 = tpu.memref_slice %arg8[%rem3A_85] : memref<3x!tpu.dma_semaphore, #tpu.memory_space<semaphore_mem>> -> memref<1x!tpu.dma_semaphore, #tpu.memory_space<semaphore_mem>>
    %dma_start3A_147 = tpu.memref_squeeze %dma_start3A_146 : memref<1x!tpu.dma_semaphore, #tpu.memory_space<semaphore_mem>> -> memref<!tpu.dma_semaphore, #tpu.memory_space<semaphore_mem>>
    %dma_start3A_148 = arith.constant 32 : i32
    %dma_start3A_149 = arith.constant 0 : i32
    %dma_start3A_150 = tpu.memref_slice %arg7[%rem3A_85, %dma_start3A_148, %dma_start3A_149] : memref<3x40x1024xf32, #tpu.memory_space<vmem>> -> memref<1x8x1024xf32, #tpu.memory_space<vmem>>
    %dma_start3A_151 = tpu.memref_squeeze %dma_start3A_150 : memref<1x8x1024xf32, #tpu.memory_space<vmem>> -> memref<8x1024xf32, #tpu.memory_space<vmem>>
    %dma_start3A_152 = arith.constant 0 : i32
    %dma_start3A_153 = tpu.memref_slice %arg4[%add3A_139, %dma_start3A_152] : memref<8192x1024xf32, #tpu.memory_space<hbm>> -> memref<8x1024xf32, #tpu.memory_space<hbm>>
    tpu.enqueue_dma source(%dma_start3A_153 : memref<8x1024xf32, #tpu.memory_space<hbm>>) target(%dma_start3A_151 : memref<8x1024xf32, #tpu.memory_space<vmem>>) target_semaphore(%dma_start3A_147 : memref<!tpu.dma_semaphore, #tpu.memory_space<semaphore_mem>>)
    %scan3A = arith.constant 0 : i32
    %scan3A_154 = arith.constant 0 : i32
    %scan3A_155 = arith.constant 32 : i32
    %scan3A_156 = arith.addi %scan3A_154, %scan3A_155 : i32
    %scan3A_157 = arith.constant 1 : i32
    scf.for %scan3A_221 = %scan3A_154 to %scan3A_156 step %scan3A_157  : i32 {
      %mul3A_222 = arith.constant 1 : i32
      %mul3A_223 = arith.muli %scan3A_221, %mul3A_222 : i32
      %add3A_224 = arith.constant 0 : i32
      %add3A_225 = arith.addi %mul3A_223, %add3A_224 : i32
      %rem3A_226 = arith.constant 3 : i32
      %rem3A_227 = arith.remsi %add3A_225, %rem3A_226 : i32
      %dma_wait3A_228 = arith.constant 0 : i32
      %dma_wait3A_229 = arith.constant 0 : i32
      %dma_wait3A_230 = tpu.memref_slice %arg7[%rem3A_227, %dma_wait3A_228, %dma_wait3A_229] : memref<3x40x1024xf32, #tpu.memory_space<vmem>> -> memref<1x40x1024xf32, #tpu.memory_space<vmem>>
      %dma_wait3A_231 = tpu.memref_squeeze %dma_wait3A_230 : memref<1x40x1024xf32, #tpu.memory_space<vmem>> -> memref<40x1024xf32, #tpu.memory_space<vmem>>
      %dma_wait3A_232 = arith.constant 0 : i32
      %dma_wait3A_233 = arith.constant 0 : i32
      %dma_wait3A_234 = tpu.memref_slice %arg3[%dma_wait3A_232, %dma_wait3A_233] : memref<100000x1024xf32, #tpu.memory_space<hbm>> -> memref<40x1024xf32, #tpu.memory_space<hbm>>
      %dma_wait3A_235 = tpu.memref_slice %arg8[%rem3A_227] : memref<3x!tpu.dma_semaphore, #tpu.memory_space<semaphore_mem>> -> memref<1x!tpu.dma_semaphore, #tpu.memory_space<semaphore_mem>>
      %dma_wait3A_236 = tpu.memref_squeeze %dma_wait3A_235 : memref<1x!tpu.dma_semaphore, #tpu.memory_space<semaphore_mem>> -> memref<!tpu.dma_semaphore, #tpu.memory_space<semaphore_mem>>
      %dma_wait3A_237 = arith.constant 0 : i32
      %dma_wait3A_238 = arith.constant 0 : i32
      %dma_wait3A_239 = tpu.memref_slice %arg7[%rem3A_227, %dma_wait3A_237, %dma_wait3A_238] : memref<3x40x1024xf32, #tpu.memory_space<vmem>> -> memref<1x40x1024xf32, #tpu.memory_space<vmem>>
      %dma_wait3A_240 = tpu.memref_squeeze %dma_wait3A_239 : memref<1x40x1024xf32, #tpu.memory_space<vmem>> -> memref<40x1024xf32, #tpu.memory_space<vmem>>
      %dma_wait3A_241 = arith.constant 0 : i32
      %dma_wait3A_242 = arith.constant 0 : i32
      %dma_wait3A_243 = tpu.memref_slice %arg3[%dma_wait3A_241, %dma_wait3A_242] : memref<100000x1024xf32, #tpu.memory_space<hbm>> -> memref<40x1024xf32, #tpu.memory_space<hbm>>
      tpu.wait_dma2 semaphore(%dma_wait3A_236 : memref<!tpu.dma_semaphore, #tpu.memory_space<semaphore_mem>>) src(%dma_wait3A_243 : memref<40x1024xf32, #tpu.memory_space<hbm>>) dst(%dma_wait3A_240 : memref<40x1024xf32, #tpu.memory_space<vmem>>)
      %rem3A_244 = arith.constant 3 : i32
      %rem3A_245 = arith.remsi %add3A_225, %rem3A_244 : i32
      %scan3A_246 = arith.constant 0 : i32
      %scan3A_247 = arith.constant 0 : i32
      %scan3A_248 = arith.constant 64 : i32
      %scan3A_249 = arith.addi %scan3A_247, %scan3A_248 : i32
      %scan3A_250 = arith.constant 1 : i32
      scf.for %scan3A_349 = %scan3A_247 to %scan3A_249 step %scan3A_250  : i32 {
        %mul3A_350 = arith.constant 16 : i32
        %mul3A_351 = arith.muli %scan3A_349, %mul3A_350 : i32
        %get3A = arith.constant 32 : i32
        %get3A_352 = arith.constant 0 : i32
        %get3A_353 = arith.constant 0 : i32
        %get3A_354 = tpu.memref_slice %arg7[%rem3A_245, %get3A_352, %get3A_353] : memref<3x40x1024xf32, #tpu.memory_space<vmem>> -> memref<1x40x1024xf32, #tpu.memory_space<vmem>>
        %get3A_355 = tpu.memref_squeeze %get3A_354 : memref<1x40x1024xf32, #tpu.memory_space<vmem>> -> memref<40x1024xf32, #tpu.memory_space<vmem>>
        %get3A_356 = arith.index_cast %get3A : i32 to index
        %get3A_357 = arith.index_cast %mul3A_351 : i32 to index
        %get3A_358 = tpu.vector_load %get3A_355[%get3A_356, %get3A_357] {strides = array<i32>} : memref<40x1024xf32, #tpu.memory_space<vmem>>, vector<1x16xf32>,
        %get3A_359 = vector.shape_cast %get3A_358 : vector<1x16xf32> to vector<16xf32>
        %get3A_360 = arith.constant 0 : i32
        %get3A_361 = arith.constant 0 : i32
        %get3A_362 = arith.constant 0 : i32
        %get3A_363 = tpu.memref_slice %arg7[%rem3A_245, %get3A_361, %get3A_362] : memref<3x40x1024xf32, #tpu.memory_space<vmem>> -> memref<1x40x1024xf32, #tpu.memory_space<vmem>>
        %get3A_364 = tpu.memref_squeeze %get3A_363 : memref<1x40x1024xf32, #tpu.memory_space<vmem>> -> memref<40x1024xf32, #tpu.memory_space<vmem>>
        %get3A_365 = arith.index_cast %get3A_360 : i32 to index
        %get3A_366 = arith.index_cast %mul3A_351 : i32 to index
        %get3A_367 = tpu.vector_load %get3A_364[%get3A_365, %get3A_366] {strides = array<i32>} : memref<40x1024xf32, #tpu.memory_space<vmem>>, vector<1x16xf32>,
        %get3A_368 = vector.shape_cast %get3A_367 : vector<1x16xf32> to vector<16xf32>
        %add3A_369 = arith.addf %get3A_368, %get3A_359 : vector<16xf32>
        %swap3A = arith.constant 0 : i32
        %swap3A_370 = arith.constant 0 : i32
        %swap3A_371 = arith.constant 0 : i32
        %swap3A_372 = tpu.memref_slice %arg7[%rem3A_245, %swap3A_370, %swap3A_371] : memref<3x40x1024xf32, #tpu.memory_space<vmem>> -> memref<1x40x1024xf32, #tpu.memory_space<vmem>>
        %swap3A_373 = tpu.memref_squeeze %swap3A_372 : memref<1x40x1024xf32, #tpu.memory_space<vmem>> -> memref<40x1024xf32, #tpu.memory_space<vmem>>
        %swap3A_374 = arith.index_cast %swap3A : i32 to index
        %swap3A_375 = arith.index_cast %mul3A_351 : i32 to index
        %swap3A_376 = tpu.vector_load %swap3A_373[%swap3A_374, %swap3A_375] {strides = array<i32>} : memref<40x1024xf32, #tpu.memory_space<vmem>>, vector<1x16xf32>,
        %swap3A_377 = vector.shape_cast %swap3A_376 : vector<1x16xf32> to vector<16xf32>
        %swap3A_378 = vector.shape_cast %add3A_369 : vector<16xf32> to vector<1x16xf32>
        tpu.vector_store %swap3A_373[%swap3A_374, %swap3A_375], %swap3A_378 {strides = array<i32>} : memref<40x1024xf32, #tpu.memory_space<vmem>>, vector<1x16xf32>,
        %get3A_379 = arith.constant 8 : i32
        %get3A_380 = arith.constant 0 : i32
        %get3A_381 = arith.constant 0 : i32
        %get3A_382 = tpu.memref_slice %arg7[%rem3A_245, %get3A_380, %get3A_381] : memref<3x40x1024xf32, #tpu.memory_space<vmem>> -> memref<1x40x1024xf32, #tpu.memory_space<vmem>>
        %get3A_383 = tpu.memref_squeeze %get3A_382 : memref<1x40x1024xf32, #tpu.memory_space<vmem>> -> memref<40x1024xf32, #tpu.memory_space<vmem>>
        %get3A_384 = arith.index_cast %get3A_379 : i32 to index
        %get3A_385 = arith.index_cast %mul3A_351 : i32 to index
        %get3A_386 = tpu.vector_load %get3A_383[%get3A_384, %get3A_385] {strides = array<i32>} : memref<40x1024xf32, #tpu.memory_space<vmem>>, vector<1x16xf32>,
        %get3A_387 = vector.shape_cast %get3A_386 : vector<1x16xf32> to vector<16xf32>
        %add3A_388 = arith.addf %get3A_387, %get3A_359 : vector<16xf32>
        %swap3A_389 = arith.constant 8 : i32
        %swap3A_390 = arith.constant 0 : i32
        %swap3A_391 = arith.constant 0 : i32
        %swap3A_392 = tpu.memref_slice %arg7[%rem3A_245, %swap3A_390, %swap3A_391] : memref<3x40x1024xf32, #tpu.memory_space<vmem>> -> memref<1x40x1024xf32, #tpu.memory_space<vmem>>
        %swap3A_393 = tpu.memref_squeeze %swap3A_392 : memref<1x40x1024xf32, #tpu.memory_space<vmem>> -> memref<40x1024xf32, #tpu.memory_space<vmem>>
        %swap3A_394 = arith.index_cast %swap3A_389 : i32 to index
        %swap3A_395 = arith.index_cast %mul3A_351 : i32 to index
        %swap3A_396 = tpu.vector_load %swap3A_393[%swap3A_394, %swap3A_395] {strides = array<i32>} : memref<40x1024xf32, #tpu.memory_space<vmem>>, vector<1x16xf32>,
        %swap3A_397 = vector.shape_cast %swap3A_396 : vector<1x16xf32> to vector<16xf32>
        %swap3A_398 = vector.shape_cast %add3A_388 : vector<16xf32> to vector<1x16xf32>
        tpu.vector_store %swap3A_393[%swap3A_394, %swap3A_395], %swap3A_398 {strides = array<i32>} : memref<40x1024xf32, #tpu.memory_space<vmem>>, vector<1x16xf32>,
        %get3A_399 = arith.constant 16 : i32
        %get3A_400 = arith.constant 0 : i32
        %get3A_401 = arith.constant 0 : i32
        %get3A_402 = tpu.memref_slice %arg7[%rem3A_245, %get3A_400, %get3A_401] : memref<3x40x1024xf32, #tpu.memory_space<vmem>> -> memref<1x40x1024xf32, #tpu.memory_space<vmem>>
        %get3A_403 = tpu.memref_squeeze %get3A_402 : memref<1x40x1024xf32, #tpu.memory_space<vmem>> -> memref<40x1024xf32, #tpu.memory_space<vmem>>
        %get3A_404 = arith.index_cast %get3A_399 : i32 to index
        %get3A_405 = arith.index_cast %mul3A_351 : i32 to index
        %get3A_406 = tpu.vector_load %get3A_403[%get3A_404, %get3A_405] {strides = array<i32>} : memref<40x1024xf32, #tpu.memory_space<vmem>>, vector<1x16xf32>,
        %get3A_407 = vector.shape_cast %get3A_406 : vector<1x16xf32> to vector<16xf32>
        %add3A_408 = arith.addf %get3A_407, %get3A_359 : vector<16xf32>
        %swap3A_409 = arith.constant 16 : i32
        %swap3A_410 = arith.constant 0 : i32
        %swap3A_411 = arith.constant 0 : i32
        %swap3A_412 = tpu.memref_slice %arg7[%rem3A_245, %swap3A_410, %swap3A_411] : memref<3x40x1024xf32, #tpu.memory_space<vmem>> -> memref<1x40x1024xf32, #tpu.memory_space<vmem>>
        %swap3A_413 = tpu.memref_squeeze %swap3A_412 : memref<1x40x1024xf32, #tpu.memory_space<vmem>> -> memref<40x1024xf32, #tpu.memory_space<vmem>>
        %swap3A_414 = arith.index_cast %swap3A_409 : i32 to index
        %swap3A_415 = arith.index_cast %mul3A_351 : i32 to index
        %swap3A_416 = tpu.vector_load %swap3A_413[%swap3A_414, %swap3A_415] {strides = array<i32>} : memref<40x1024xf32, #tpu.memory_space<vmem>>, vector<1x16xf32>,
        %swap3A_417 = vector.shape_cast %swap3A_416 : vector<1x16xf32> to vector<16xf32>
        %swap3A_418 = vector.shape_cast %add3A_408 : vector<16xf32> to vector<1x16xf32>
        tpu.vector_store %swap3A_413[%swap3A_414, %swap3A_415], %swap3A_418 {strides = array<i32>} : memref<40x1024xf32, #tpu.memory_space<vmem>>, vector<1x16xf32>,
        %get3A_419 = arith.constant 24 : i32
        %get3A_420 = arith.constant 0 : i32
        %get3A_421 = arith.constant 0 : i32
        %get3A_422 = tpu.memref_slice %arg7[%rem3A_245, %get3A_420, %get3A_421] : memref<3x40x1024xf32, #tpu.memory_space<vmem>> -> memref<1x40x1024xf32, #tpu.memory_space<vmem>>
        %get3A_423 = tpu.memref_squeeze %get3A_422 : memref<1x40x1024xf32, #tpu.memory_space<vmem>> -> memref<40x1024xf32, #tpu.memory_space<vmem>>
        %get3A_424 = arith.index_cast %get3A_419 : i32 to index
        %get3A_425 = arith.index_cast %mul3A_351 : i32 to index
        %get3A_426 = tpu.vector_load %get3A_423[%get3A_424, %get3A_425] {strides = array<i32>} : memref<40x1024xf32, #tpu.memory_space<vmem>>, vector<1x16xf32>,
        %get3A_427 = vector.shape_cast %get3A_426 : vector<1x16xf32> to vector<16xf32>
        %add3A_428 = arith.addf %get3A_427, %get3A_359 : vector<16xf32>
        %swap3A_429 = arith.constant 24 : i32
        %swap3A_430 = arith.constant 0 : i32
        %swap3A_431 = arith.constant 0 : i32
        %swap3A_432 = tpu.memref_slice %arg7[%rem3A_245, %swap3A_430, %swap3A_431] : memref<3x40x1024xf32, #tpu.memory_space<vmem>> -> memref<1x40x1024xf32, #tpu.memory_space<vmem>>
        %swap3A_433 = tpu.memref_squeeze %swap3A_432 : memref<1x40x1024xf32, #tpu.memory_space<vmem>> -> memref<40x1024xf32, #tpu.memory_space<vmem>>
        %swap3A_434 = arith.index_cast %swap3A_429 : i32 to index
        %swap3A_435 = arith.index_cast %mul3A_351 : i32 to index
        %swap3A_436 = tpu.vector_load %swap3A_433[%swap3A_434, %swap3A_435] {strides = array<i32>} : memref<40x1024xf32, #tpu.memory_space<vmem>>, vector<1x16xf32>,
        %swap3A_437 = vector.shape_cast %swap3A_436 : vector<1x16xf32> to vector<16xf32>
        %swap3A_438 = vector.shape_cast %add3A_428 : vector<16xf32> to vector<1x16xf32>
        tpu.vector_store %swap3A_433[%swap3A_434, %swap3A_435], %swap3A_438 {strides = array<i32>} : memref<40x1024xf32, #tpu.memory_space<vmem>>, vector<1x16xf32>,
        %get3A_439 = arith.constant 33 : i32
        %get3A_440 = arith.constant 0 : i32
        %get3A_441 = arith.constant 0 : i32
        %get3A_442 = tpu.memref_slice %arg7[%rem3A_245, %get3A_440, %get3A_441] : memref<3x40x1024xf32, #tpu.memory_space<vmem>> -> memref<1x40x1024xf32, #tpu.memory_space<vmem>>
        %get3A_443 = tpu.memref_squeeze %get3A_442 : memref<1x40x1024xf32, #tpu.memory_space<vmem>> -> memref<40x1024xf32, #tpu.memory_space<vmem>>
        %get3A_444 = arith.index_cast %get3A_439 : i32 to index
        %get3A_445 = arith.index_cast %mul3A_351 : i32 to index
        %get3A_446 = tpu.vector_load %get3A_443[%get3A_444, %get3A_445] {strides = array<i32>} : memref<40x1024xf32, #tpu.memory_space<vmem>>, vector<1x16xf32>,
        %get3A_447 = vector.shape_cast %get3A_446 : vector<1x16xf32> to vector<16xf32>
        %get3A_448 = arith.constant 1 : i32
        %get3A_449 = arith.constant 0 : i32
        %get3A_450 = arith.constant 0 : i32
        %get3A_451 = tpu.memref_slice %arg7[%rem3A_245, %get3A_449, %get3A_450] : memref<3x40x1024xf32, #tpu.memory_space<vmem>> -> memref<1x40x1024xf32, #tpu.memory_space<vmem>>
        %get3A_452 = tpu.memref_squeeze %get3A_451 : memref<1x40x1024xf32, #tpu.memory_space<vmem>> -> memref<40x1024xf32, #tpu.memory_space<vmem>>
        %get3A_453 = arith.index_cast %get3A_448 : i32 to index
        %get3A_454 = arith.index_cast %mul3A_351 : i32 to index
        %get3A_455 = tpu.vector_load %get3A_452[%get3A_453, %get3A_454] {strides = array<i32>} : memref<40x1024xf32, #tpu.memory_space<vmem>>, vector<1x16xf32>,
        %get3A_456 = vector.shape_cast %get3A_455 : vector<1x16xf32> to vector<16xf32>
        %add3A_457 = arith.addf %get3A_456, %get3A_447 : vector<16xf32>
        %swap3A_458 = arith.constant 1 : i32
        %swap3A_459 = arith.constant 0 : i32
        %swap3A_460 = arith.constant 0 : i32
        %swap3A_461 = tpu.memref_slice %arg7[%rem3A_245, %swap3A_459, %swap3A_460] : memref<3x40x1024xf32, #tpu.memory_space<vmem>> -> memref<1x40x1024xf32, #tpu.memory_space<vmem>>
        %swap3A_462 = tpu.memref_squeeze %swap3A_461 : memref<1x40x1024xf32, #tpu.memory_space<vmem>> -> memref<40x1024xf32, #tpu.memory_space<vmem>>
        %swap3A_463 = arith.index_cast %swap3A_458 : i32 to index
        %swap3A_464 = arith.index_cast %mul3A_351 : i32 to index
        %swap3A_465 = tpu.vector_load %swap3A_462[%swap3A_463, %swap3A_464] {strides = array<i32>} : memref<40x1024xf32, #tpu.memory_space<vmem>>, vector<1x16xf32>,
        %swap3A_466 = vector.shape_cast %swap3A_465 : vector<1x16xf32> to vector<16xf32>
        %swap3A_467 = vector.shape_cast %add3A_457 : vector<16xf32> to vector<1x16xf32>
        tpu.vector_store %swap3A_462[%swap3A_463, %swap3A_464], %swap3A_467 {strides = array<i32>} : memref<40x1024xf32, #tpu.memory_space<vmem>>, vector<1x16xf32>,
        %get3A_468 = arith.constant 9 : i32
        %get3A_469 = arith.constant 0 : i32
        %get3A_470 = arith.constant 0 : i32
        %get3A_471 = tpu.memref_slice %arg7[%rem3A_245, %get3A_469, %get3A_470] : memref<3x40x1024xf32, #tpu.memory_space<vmem>> -> memref<1x40x1024xf32, #tpu.memory_space<vmem>>
        %get3A_472 = tpu.memref_squeeze %get3A_471 : memref<1x40x1024xf32, #tpu.memory_space<vmem>> -> memref<40x1024xf32, #tpu.memory_space<vmem>>
        %get3A_473 = arith.index_cast %get3A_468 : i32 to index
        %get3A_474 = arith.index_cast %mul3A_351 : i32 to index
        %get3A_475 = tpu.vector_load %get3A_472[%get3A_473, %get3A_474] {strides = array<i32>} : memref<40x1024xf32, #tpu.memory_space<vmem>>, vector<1x16xf32>,
        %get3A_476 = vector.shape_cast %get3A_475 : vector<1x16xf32> to vector<16xf32>
        %add3A_477 = arith.addf %get3A_476, %get3A_447 : vector<16xf32>
        %swap3A_478 = arith.constant 9 : i32
        %swap3A_479 = arith.constant 0 : i32
        %swap3A_480 = arith.constant 0 : i32
        %swap3A_481 = tpu.memref_slice %arg7[%rem3A_245, %swap3A_479, %swap3A_480] : memref<3x40x1024xf32, #tpu.memory_space<vmem>> -> memref<1x40x1024xf32, #tpu.memory_space<vmem>>
        %swap3A_482 = tpu.memref_squeeze %swap3A_481 : memref<1x40x1024xf32, #tpu.memory_space<vmem>> -> memref<40x1024xf32, #tpu.memory_space<vmem>>
        %swap3A_483 = arith.index_cast %swap3A_478 : i32 to index
        %swap3A_484 = arith.index_cast %mul3A_351 : i32 to index
        %swap3A_485 = tpu.vector_load %swap3A_482[%swap3A_483, %swap3A_484] {strides = array<i32>} : memref<40x1024xf32, #tpu.memory_space<vmem>>, vector<1x16xf32>,
        %swap3A_486 = vector.shape_cast %swap3A_485 : vector<1x16xf32> to vector<16xf32>
        %swap3A_487 = vector.shape_cast %add3A_477 : vector<16xf32> to vector<1x16xf32>
        tpu.vector_store %swap3A_482[%swap3A_483, %swap3A_484], %swap3A_487 {strides = array<i32>} : memref<40x1024xf32, #tpu.memory_space<vmem>>, vector<1x16xf32>,
        %get3A_488 = arith.constant 17 : i32
        %get3A_489 = arith.constant 0 : i32
        %get3A_490 = arith.constant 0 : i32
        %get3A_491 = tpu.memref_slice %arg7[%rem3A_245, %get3A_489, %get3A_490] : memref<3x40x1024xf32, #tpu.memory_space<vmem>> -> memref<1x40x1024xf32, #tpu.memory_space<vmem>>
        %get3A_492 = tpu.memref_squeeze %get3A_491 : memref<1x40x1024xf32, #tpu.memory_space<vmem>> -> memref<40x1024xf32, #tpu.memory_space<vmem>>
        %get3A_493 = arith.index_cast %get3A_488 : i32 to index
        %get3A_494 = arith.index_cast %mul3A_351 : i32 to index
        %get3A_495 = tpu.vector_load %get3A_492[%get3A_493, %get3A_494] {strides = array<i32>} : memref<40x1024xf32, #tpu.memory_space<vmem>>, vector<1x16xf32>,
        %get3A_496 = vector.shape_cast %get3A_495 : vector<1x16xf32> to vector<16xf32>
        %add3A_497 = arith.addf %get3A_496, %get3A_447 : vector<16xf32>
        %swap3A_498 = arith.constant 17 : i32
        %swap3A_499 = arith.constant 0 : i32
        %swap3A_500 = arith.constant 0 : i32
        %swap3A_501 = tpu.memref_slice %arg7[%rem3A_245, %swap3A_499, %swap3A_500] : memref<3x40x1024xf32, #tpu.memory_space<vmem>> -> memref<1x40x1024xf32, #tpu.memory_space<vmem>>
        %swap3A_502 = tpu.memref_squeeze %swap3A_501 : memref<1x40x1024xf32, #tpu.memory_space<vmem>> -> memref<40x1024xf32, #tpu.memory_space<vmem>>
        %swap3A_503 = arith.index_cast %swap3A_498 : i32 to index
        %swap3A_504 = arith.index_cast %mul3A_351 : i32 to index
        %swap3A_505 = tpu.vector_load %swap3A_502[%swap3A_503, %swap3A_504] {strides = array<i32>} : memref<40x1024xf32, #tpu.memory_space<vmem>>, vector<1x16xf32>,
        %swap3A_506 = vector.shape_cast %swap3A_505 : vector<1x16xf32> to vector<16xf32>
        %swap3A_507 = vector.shape_cast %add3A_497 : vector<16xf32> to vector<1x16xf32>
        tpu.vector_store %swap3A_502[%swap3A_503, %swap3A_504], %swap3A_507 {strides = array<i32>} : memref<40x1024xf32, #tpu.memory_space<vmem>>, vector<1x16xf32>,
        %get3A_508 = arith.constant 25 : i32
        %get3A_509 = arith.constant 0 : i32
        %get3A_510 = arith.constant 0 : i32
        %get3A_511 = tpu.memref_slice %arg7[%rem3A_245, %get3A_509, %get3A_510] : memref<3x40x1024xf32, #tpu.memory_space<vmem>> -> memref<1x40x1024xf32, #tpu.memory_space<vmem>>
        %get3A_512 = tpu.memref_squeeze %get3A_511 : memref<1x40x1024xf32, #tpu.memory_space<vmem>> -> memref<40x1024xf32, #tpu.memory_space<vmem>>
        %get3A_513 = arith.index_cast %get3A_508 : i32 to index
        %get3A_514 = arith.index_cast %mul3A_351 : i32 to index
        %get3A_515 = tpu.vector_load %get3A_512[%get3A_513, %get3A_514] {strides = array<i32>} : memref<40x1024xf32, #tpu.memory_space<vmem>>, vector<1x16xf32>,
        %get3A_516 = vector.shape_cast %get3A_515 : vector<1x16xf32> to vector<16xf32>
        %add3A_517 = arith.addf %get3A_516, %get3A_447 : vector<16xf32>
        %swap3A_518 = arith.constant 25 : i32
        %swap3A_519 = arith.constant 0 : i32
        %swap3A_520 = arith.constant 0 : i32
        %swap3A_521 = tpu.memref_slice %arg7[%rem3A_245, %swap3A_519, %swap3A_520] : memref<3x40x1024xf32, #tpu.memory_space<vmem>> -> memref<1x40x1024xf32, #tpu.memory_space<vmem>>
        %swap3A_522 = tpu.memref_squeeze %swap3A_521 : memref<1x40x1024xf32, #tpu.memory_space<vmem>> -> memref<40x1024xf32, #tpu.memory_space<vmem>>
        %swap3A_523 = arith.index_cast %swap3A_518 : i32 to index
        %swap3A_524 = arith.index_cast %mul3A_351 : i32 to index
        %swap3A_525 = tpu.vector_load %swap3A_522[%swap3A_523, %swap3A_524] {strides = array<i32>} : memref<40x1024xf32, #tpu.memory_space<vmem>>, vector<1x16xf32>,
        %swap3A_526 = vector.shape_cast %swap3A_525 : vector<1x16xf32> to vector<16xf32>
        %swap3A_527 = vector.shape_cast %add3A_517 : vector<16xf32> to vector<1x16xf32>
        tpu.vector_store %swap3A_522[%swap3A_523, %swap3A_524], %swap3A_527 {strides = array<i32>} : memref<40x1024xf32, #tpu.memory_space<vmem>>, vector<1x16xf32>,
        %get3A_528 = arith.constant 34 : i32
        %get3A_529 = arith.constant 0 : i32
        %get3A_530 = arith.constant 0 : i32
        %get3A_531 = tpu.memref_slice %arg7[%rem3A_245, %get3A_529, %get3A_530] : memref<3x40x1024xf32, #tpu.memory_space<vmem>> -> memref<1x40x1024xf32, #tpu.memory_space<vmem>>
        %get3A_532 = tpu.memref_squeeze %get3A_531 : memref<1x40x1024xf32, #tpu.memory_space<vmem>> -> memref<40x1024xf32, #tpu.memory_space<vmem>>
        %get3A_533 = arith.index_cast %get3A_528 : i32 to index
        %get3A_534 = arith.index_cast %mul3A_351 : i32 to index
        %get3A_535 = tpu.vector_load %get3A_532[%get3A_533, %get3A_534] {strides = array<i32>} : memref<40x1024xf32, #tpu.memory_space<vmem>>, vector<1x16xf32>,
        %get3A_536 = vector.shape_cast %get3A_535 : vector<1x16xf32> to vector<16xf32>
        %get3A_537 = arith.constant 2 : i32
        %get3A_538 = arith.constant 0 : i32
        %get3A_539 = arith.constant 0 : i32
        %get3A_540 = tpu.memref_slice %arg7[%rem3A_245, %get3A_538, %get3A_539] : memref<3x40x1024xf32, #tpu.memory_space<vmem>> -> memref<1x40x1024xf32, #tpu.memory_space<vmem>>
        %get3A_541 = tpu.memref_squeeze %get3A_540 : memref<1x40x1024xf32, #tpu.memory_space<vmem>> -> memref<40x1024xf32, #tpu.memory_space<vmem>>
        %get3A_542 = arith.index_cast %get3A_537 : i32 to index
        %get3A_543 = arith.index_cast %mul3A_351 : i32 to index
        %get3A_544 = tpu.vector_load %get3A_541[%get3A_542, %get3A_543] {strides = array<i32>} : memref<40x1024xf32, #tpu.memory_space<vmem>>, vector<1x16xf32>,
        %get3A_545 = vector.shape_cast %get3A_544 : vector<1x16xf32> to vector<16xf32>
        %add3A_546 = arith.addf %get3A_545, %get3A_536 : vector<16xf32>
        %swap3A_547 = arith.constant 2 : i32
        %swap3A_548 = arith.constant 0 : i32
        %swap3A_549 = arith.constant 0 : i32
        %swap3A_550 = tpu.memref_slice %arg7[%rem3A_245, %swap3A_548, %swap3A_549] : memref<3x40x1024xf32, #tpu.memory_space<vmem>> -> memref<1x40x1024xf32, #tpu.memory_space<vmem>>
        %swap3A_551 = tpu.memref_squeeze %swap3A_550 : memref<1x40x1024xf32, #tpu.memory_space<vmem>> -> memref<40x1024xf32, #tpu.memory_space<vmem>>
        %swap3A_552 = arith.index_cast %swap3A_547 : i32 to index
        %swap3A_553 = arith.index_cast %mul3A_351 : i32 to index
        %swap3A_554 = tpu.vector_load %swap3A_551[%swap3A_552, %swap3A_553] {strides = array<i32>} : memref<40x1024xf32, #tpu.memory_space<vmem>>, vector<1x16xf32>,
        %swap3A_555 = vector.shape_cast %swap3A_554 : vector<1x16xf32> to vector<16xf32>
        %swap3A_556 = vector.shape_cast %add3A_546 : vector<16xf32> to vector<1x16xf32>
        tpu.vector_store %swap3A_551[%swap3A_552, %swap3A_553], %swap3A_556 {strides = array<i32>} : memref<40x1024xf32, #tpu.memory_space<vmem>>, vector<1x16xf32>,
        %get3A_557 = arith.constant 10 : i32
        %get3A_558 = arith.constant 0 : i32
        %get3A_559 = arith.constant 0 : i32
        %get3A_560 = tpu.memref_slice %arg7[%rem3A_245, %get3A_558, %get3A_559] : memref<3x40x1024xf32, #tpu.memory_space<vmem>> -> memref<1x40x1024xf32, #tpu.memory_space<vmem>>
        %get3A_561 = tpu.memref_squeeze %get3A_560 : memref<1x40x1024xf32, #tpu.memory_space<vmem>> -> memref<40x1024xf32, #tpu.memory_space<vmem>>
        %get3A_562 = arith.index_cast %get3A_557 : i32 to index
        %get3A_563 = arith.index_cast %mul3A_351 : i32 to index
        %get3A_564 = tpu.vector_load %get3A_561[%get3A_562, %get3A_563] {strides = array<i32>} : memref<40x1024xf32, #tpu.memory_space<vmem>>, vector<1x16xf32>,
        %get3A_565 = vector.shape_cast %get3A_564 : vector<1x16xf32> to vector<16xf32>
        %add3A_566 = arith.addf %get3A_565, %get3A_536 : vector<16xf32>
        %swap3A_567 = arith.constant 10 : i32
        %swap3A_568 = arith.constant 0 : i32
        %swap3A_569 = arith.constant 0 : i32
        %swap3A_570 = tpu.memref_slice %arg7[%rem3A_245, %swap3A_568, %swap3A_569] : memref<3x40x1024xf32, #tpu.memory_space<vmem>> -> memref<1x40x1024xf32, #tpu.memory_space<vmem>>
        %swap3A_571 = tpu.memref_squeeze %swap3A_570 : memref<1x40x1024xf32, #tpu.memory_space<vmem>> -> memref<40x1024xf32, #tpu.memory_space<vmem>>
        %swap3A_572 = arith.index_cast %swap3A_567 : i32 to index
        %swap3A_573 = arith.index_cast %mul3A_351 : i32 to index
        %swap3A_574 = tpu.vector_load %swap3A_571[%swap3A_572, %swap3A_573] {strides = array<i32>} : memref<40x1024xf32, #tpu.memory_space<vmem>>, vector<1x16xf32>,
        %swap3A_575 = vector.shape_cast %swap3A_574 : vector<1x16xf32> to vector<16xf32>
        %swap3A_576 = vector.shape_cast %add3A_566 : vector<16xf32> to vector<1x16xf32>
        tpu.vector_store %swap3A_571[%swap3A_572, %swap3A_573], %swap3A_576 {strides = array<i32>} : memref<40x1024xf32, #tpu.memory_space<vmem>>, vector<1x16xf32>,
        %get3A_577 = arith.constant 18 : i32
        %get3A_578 = arith.constant 0 : i32
        %get3A_579 = arith.constant 0 : i32
        %get3A_580 = tpu.memref_slice %arg7[%rem3A_245, %get3A_578, %get3A_579] : memref<3x40x1024xf32, #tpu.memory_space<vmem>> -> memref<1x40x1024xf32, #tpu.memory_space<vmem>>
        %get3A_581 = tpu.memref_squeeze %get3A_580 : memref<1x40x1024xf32, #tpu.memory_space<vmem>> -> memref<40x1024xf32, #tpu.memory_space<vmem>>
        %get3A_582 = arith.index_cast %get3A_577 : i32 to index
        %get3A_583 = arith.index_cast %mul3A_351 : i32 to index
        %get3A_584 = tpu.vector_load %get3A_581[%get3A_582, %get3A_583] {strides = array<i32>} : memref<40x1024xf32, #tpu.memory_space<vmem>>, vector<1x16xf32>,
        %get3A_585 = vector.shape_cast %get3A_584 : vector<1x16xf32> to vector<16xf32>
        %add3A_586 = arith.addf %get3A_585, %get3A_536 : vector<16xf32>
        %swap3A_587 = arith.constant 18 : i32
        %swap3A_588 = arith.constant 0 : i32
        %swap3A_589 = arith.constant 0 : i32
        %swap3A_590 = tpu.memref_slice %arg7[%rem3A_245, %swap3A_588, %swap3A_589] : memref<3x40x1024xf32, #tpu.memory_space<vmem>> -> memref<1x40x1024xf32, #tpu.memory_space<vmem>>
        %swap3A_591 = tpu.memref_squeeze %swap3A_590 : memref<1x40x1024xf32, #tpu.memory_space<vmem>> -> memref<40x1024xf32, #tpu.memory_space<vmem>>
        %swap3A_592 = arith.index_cast %swap3A_587 : i32 to index
        %swap3A_593 = arith.index_cast %mul3A_351 : i32 to index
        %swap3A_594 = tpu.vector_load %swap3A_591[%swap3A_592, %swap3A_593] {strides = array<i32>} : memref<40x1024xf32, #tpu.memory_space<vmem>>, vector<1x16xf32>,
        %swap3A_595 = vector.shape_cast %swap3A_594 : vector<1x16xf32> to vector<16xf32>
        %swap3A_596 = vector.shape_cast %add3A_586 : vector<16xf32> to vector<1x16xf32>
        tpu.vector_store %swap3A_591[%swap3A_592, %swap3A_593], %swap3A_596 {strides = array<i32>} : memref<40x1024xf32, #tpu.memory_space<vmem>>, vector<1x16xf32>,
        %get3A_597 = arith.constant 26 : i32
        %get3A_598 = arith.constant 0 : i32
        %get3A_599 = arith.constant 0 : i32
        %get3A_600 = tpu.memref_slice %arg7[%rem3A_245, %get3A_598, %get3A_599] : memref<3x40x1024xf32, #tpu.memory_space<vmem>> -> memref<1x40x1024xf32, #tpu.memory_space<vmem>>
        %get3A_601 = tpu.memref_squeeze %get3A_600 : memref<1x40x1024xf32, #tpu.memory_space<vmem>> -> memref<40x1024xf32, #tpu.memory_space<vmem>>
        %get3A_602 = arith.index_cast %get3A_597 : i32 to index
        %get3A_603 = arith.index_cast %mul3A_351 : i32 to index
        %get3A_604 = tpu.vector_load %get3A_601[%get3A_602, %get3A_603] {strides = array<i32>} : memref<40x1024xf32, #tpu.memory_space<vmem>>, vector<1x16xf32>,
        %get3A_605 = vector.shape_cast %get3A_604 : vector<1x16xf32> to vector<16xf32>
        %add3A_606 = arith.addf %get3A_605, %get3A_536 : vector<16xf32>
        %swap3A_607 = arith.constant 26 : i32
        %swap3A_608 = arith.constant 0 : i32
        %swap3A_609 = arith.constant 0 : i32
        %swap3A_610 = tpu.memref_slice %arg7[%rem3A_245, %swap3A_608, %swap3A_609] : memref<3x40x1024xf32, #tpu.memory_space<vmem>> -> memref<1x40x1024xf32, #tpu.memory_space<vmem>>
        %swap3A_611 = tpu.memref_squeeze %swap3A_610 : memref<1x40x1024xf32, #tpu.memory_space<vmem>> -> memref<40x1024xf32, #tpu.memory_space<vmem>>
        %swap3A_612 = arith.index_cast %swap3A_607 : i32 to index
        %swap3A_613 = arith.index_cast %mul3A_351 : i32 to index
        %swap3A_614 = tpu.vector_load %swap3A_611[%swap3A_612, %swap3A_613] {strides = array<i32>} : memref<40x1024xf32, #tpu.memory_space<vmem>>, vector<1x16xf32>,
        %swap3A_615 = vector.shape_cast %swap3A_614 : vector<1x16xf32> to vector<16xf32>
        %swap3A_616 = vector.shape_cast %add3A_606 : vector<16xf32> to vector<1x16xf32>
        tpu.vector_store %swap3A_611[%swap3A_612, %swap3A_613], %swap3A_616 {strides = array<i32>} : memref<40x1024xf32, #tpu.memory_space<vmem>>, vector<1x16xf32>,
        %get3A_617 = arith.constant 35 : i32
        %get3A_618 = arith.constant 0 : i32
        %get3A_619 = arith.constant 0 : i32
        %get3A_620 = tpu.memref_slice %arg7[%rem3A_245, %get3A_618, %get3A_619] : memref<3x40x1024xf32, #tpu.memory_space<vmem>> -> memref<1x40x1024xf32, #tpu.memory_space<vmem>>
        %get3A_621 = tpu.memref_squeeze %get3A_620 : memref<1x40x1024xf32, #tpu.memory_space<vmem>> -> memref<40x1024xf32, #tpu.memory_space<vmem>>
        %get3A_622 = arith.index_cast %get3A_617 : i32 to index
        %get3A_623 = arith.index_cast %mul3A_351 : i32 to index
        %get3A_624 = tpu.vector_load %get3A_621[%get3A_622, %get3A_623] {strides = array<i32>} : memref<40x1024xf32, #tpu.memory_space<vmem>>, vector<1x16xf32>,
        %get3A_625 = vector.shape_cast %get3A_624 : vector<1x16xf32> to vector<16xf32>
        %get3A_626 = arith.constant 3 : i32
        %get3A_627 = arith.constant 0 : i32
        %get3A_628 = arith.constant 0 : i32
        %get3A_629 = tpu.memref_slice %arg7[%rem3A_245, %get3A_627, %get3A_628] : memref<3x40x1024xf32, #tpu.memory_space<vmem>> -> memref<1x40x1024xf32, #tpu.memory_space<vmem>>
        %get3A_630 = tpu.memref_squeeze %get3A_629 : memref<1x40x1024xf32, #tpu.memory_space<vmem>> -> memref<40x1024xf32, #tpu.memory_space<vmem>>
        %get3A_631 = arith.index_cast %get3A_626 : i32 to index
        %get3A_632 = arith.index_cast %mul3A_351 : i32 to index
        %get3A_633 = tpu.vector_load %get3A_630[%get3A_631, %get3A_632] {strides = array<i32>} : memref<40x1024xf32, #tpu.memory_space<vmem>>, vector<1x16xf32>,
        %get3A_634 = vector.shape_cast %get3A_633 : vector<1x16xf32> to vector<16xf32>
        %add3A_635 = arith.addf %get3A_634, %get3A_625 : vector<16xf32>
        %swap3A_636 = arith.constant 3 : i32
        %swap3A_637 = arith.constant 0 : i32
        %swap3A_638 = arith.constant 0 : i32
        %swap3A_639 = tpu.memref_slice %arg7[%rem3A_245, %swap3A_637, %swap3A_638] : memref<3x40x1024xf32, #tpu.memory_space<vmem>> -> memref<1x40x1024xf32, #tpu.memory_space<vmem>>
        %swap3A_640 = tpu.memref_squeeze %swap3A_639 : memref<1x40x1024xf32, #tpu.memory_space<vmem>> -> memref<40x1024xf32, #tpu.memory_space<vmem>>
        %swap3A_641 = arith.index_cast %swap3A_636 : i32 to index
        %swap3A_642 = arith.index_cast %mul3A_351 : i32 to index
        %swap3A_643 = tpu.vector_load %swap3A_640[%swap3A_641, %swap3A_642] {strides = array<i32>} : memref<40x1024xf32, #tpu.memory_space<vmem>>, vector<1x16xf32>,
        %swap3A_644 = vector.shape_cast %swap3A_643 : vector<1x16xf32> to vector<16xf32>
        %swap3A_645 = vector.shape_cast %add3A_635 : vector<16xf32> to vector<1x16xf32>
        tpu.vector_store %swap3A_640[%swap3A_641, %swap3A_642], %swap3A_645 {strides = array<i32>} : memref<40x1024xf32, #tpu.memory_space<vmem>>, vector<1x16xf32>,
        %get3A_646 = arith.constant 11 : i32
        %get3A_647 = arith.constant 0 : i32
        %get3A_648 = arith.constant 0 : i32
        %get3A_649 = tpu.memref_slice %arg7[%rem3A_245, %get3A_647, %get3A_648] : memref<3x40x1024xf32, #tpu.memory_space<vmem>> -> memref<1x40x1024xf32, #tpu.memory_space<vmem>>
        %get3A_650 = tpu.memref_squeeze %get3A_649 : memref<1x40x1024xf32, #tpu.memory_space<vmem>> -> memref<40x1024xf32, #tpu.memory_space<vmem>>
        %get3A_651 = arith.index_cast %get3A_646 : i32 to index
        %get3A_652 = arith.index_cast %mul3A_351 : i32 to index
        %get3A_653 = tpu.vector_load %get3A_650[%get3A_651, %get3A_652] {strides = array<i32>} : memref<40x1024xf32, #tpu.memory_space<vmem>>, vector<1x16xf32>,
        %get3A_654 = vector.shape_cast %get3A_653 : vector<1x16xf32> to vector<16xf32>
        %add3A_655 = arith.addf %get3A_654, %get3A_625 : vector<16xf32>
        %swap3A_656 = arith.constant 11 : i32
        %swap3A_657 = arith.constant 0 : i32
        %swap3A_658 = arith.constant 0 : i32
        %swap3A_659 = tpu.memref_slice %arg7[%rem3A_245, %swap3A_657, %swap3A_658] : memref<3x40x1024xf32, #tpu.memory_space<vmem>> -> memref<1x40x1024xf32, #tpu.memory_space<vmem>>
        %swap3A_660 = tpu.memref_squeeze %swap3A_659 : memref<1x40x1024xf32, #tpu.memory_space<vmem>> -> memref<40x1024xf32, #tpu.memory_space<vmem>>
        %swap3A_661 = arith.index_cast %swap3A_656 : i32 to index
        %swap3A_662 = arith.index_cast %mul3A_351 : i32 to index
        %swap3A_663 = tpu.vector_load %swap3A_660[%swap3A_661, %swap3A_662] {strides = array<i32>} : memref<40x1024xf32, #tpu.memory_space<vmem>>, vector<1x16xf32>,
        %swap3A_664 = vector.shape_cast %swap3A_663 : vector<1x16xf32> to vector<16xf32>
        %swap3A_665 = vector.shape_cast %add3A_655 : vector<16xf32> to vector<1x16xf32>
        tpu.vector_store %swap3A_660[%swap3A_661, %swap3A_662], %swap3A_665 {strides = array<i32>} : memref<40x1024xf32, #tpu.memory_space<vmem>>, vector<1x16xf32>,
        %get3A_666 = arith.constant 19 : i32
        %get3A_667 = arith.constant 0 : i32
        %get3A_668 = arith.constant 0 : i32
        %get3A_669 = tpu.memref_slice %arg7[%rem3A_245, %get3A_667, %get3A_668] : memref<3x40x1024xf32, #tpu.memory_space<vmem>> -> memref<1x40x1024xf32, #tpu.memory_space<vmem>>
        %get3A_670 = tpu.memref_squeeze %get3A_669 : memref<1x40x1024xf32, #tpu.memory_space<vmem>> -> memref<40x1024xf32, #tpu.memory_space<vmem>>
        %get3A_671 = arith.index_cast %get3A_666 : i32 to index
        %get3A_672 = arith.index_cast %mul3A_351 : i32 to index
        %get3A_673 = tpu.vector_load %get3A_670[%get3A_671, %get3A_672] {strides = array<i32>} : memref<40x1024xf32, #tpu.memory_space<vmem>>, vector<1x16xf32>,
        %get3A_674 = vector.shape_cast %get3A_673 : vector<1x16xf32> to vector<16xf32>
        %add3A_675 = arith.addf %get3A_674, %get3A_625 : vector<16xf32>
        %swap3A_676 = arith.constant 19 : i32
        %swap3A_677 = arith.constant 0 : i32
        %swap3A_678 = arith.constant 0 : i32
        %swap3A_679 = tpu.memref_slice %arg7[%rem3A_245, %swap3A_677, %swap3A_678] : memref<3x40x1024xf32, #tpu.memory_space<vmem>> -> memref<1x40x1024xf32, #tpu.memory_space<vmem>>
        %swap3A_680 = tpu.memref_squeeze %swap3A_679 : memref<1x40x1024xf32, #tpu.memory_space<vmem>> -> memref<40x1024xf32, #tpu.memory_space<vmem>>
        %swap3A_681 = arith.index_cast %swap3A_676 : i32 to index
        %swap3A_682 = arith.index_cast %mul3A_351 : i32 to index
        %swap3A_683 = tpu.vector_load %swap3A_680[%swap3A_681, %swap3A_682] {strides = array<i32>} : memref<40x1024xf32, #tpu.memory_space<vmem>>, vector<1x16xf32>,
        %swap3A_684 = vector.shape_cast %swap3A_683 : vector<1x16xf32> to vector<16xf32>
        %swap3A_685 = vector.shape_cast %add3A_675 : vector<16xf32> to vector<1x16xf32>
        tpu.vector_store %swap3A_680[%swap3A_681, %swap3A_682], %swap3A_685 {strides = array<i32>} : memref<40x1024xf32, #tpu.memory_space<vmem>>, vector<1x16xf32>,
        %get3A_686 = arith.constant 27 : i32
        %get3A_687 = arith.constant 0 : i32
        %get3A_688 = arith.constant 0 : i32
        %get3A_689 = tpu.memref_slice %arg7[%rem3A_245, %get3A_687, %get3A_688] : memref<3x40x1024xf32, #tpu.memory_space<vmem>> -> memref<1x40x1024xf32, #tpu.memory_space<vmem>>
        %get3A_690 = tpu.memref_squeeze %get3A_689 : memref<1x40x1024xf32, #tpu.memory_space<vmem>> -> memref<40x1024xf32, #tpu.memory_space<vmem>>
        %get3A_691 = arith.index_cast %get3A_686 : i32 to index
        %get3A_692 = arith.index_cast %mul3A_351 : i32 to index
        %get3A_693 = tpu.vector_load %get3A_690[%get3A_691, %get3A_692] {strides = array<i32>} : memref<40x1024xf32, #tpu.memory_space<vmem>>, vector<1x16xf32>,
        %get3A_694 = vector.shape_cast %get3A_693 : vector<1x16xf32> to vector<16xf32>
        %add3A_695 = arith.addf %get3A_694, %get3A_625 : vector<16xf32>
        %swap3A_696 = arith.constant 27 : i32
        %swap3A_697 = arith.constant 0 : i32
        %swap3A_698 = arith.constant 0 : i32
        %swap3A_699 = tpu.memref_slice %arg7[%rem3A_245, %swap3A_697, %swap3A_698] : memref<3x40x1024xf32, #tpu.memory_space<vmem>> -> memref<1x40x1024xf32, #tpu.memory_space<vmem>>
        %swap3A_700 = tpu.memref_squeeze %swap3A_699 : memref<1x40x1024xf32, #tpu.memory_space<vmem>> -> memref<40x1024xf32, #tpu.memory_space<vmem>>
        %swap3A_701 = arith.index_cast %swap3A_696 : i32 to index
        %swap3A_702 = arith.index_cast %mul3A_351 : i32 to index
        %swap3A_703 = tpu.vector_load %swap3A_700[%swap3A_701, %swap3A_702] {strides = array<i32>} : memref<40x1024xf32, #tpu.memory_space<vmem>>, vector<1x16xf32>,
        %swap3A_704 = vector.shape_cast %swap3A_703 : vector<1x16xf32> to vector<16xf32>
        %swap3A_705 = vector.shape_cast %add3A_695 : vector<16xf32> to vector<1x16xf32>
        tpu.vector_store %swap3A_700[%swap3A_701, %swap3A_702], %swap3A_705 {strides = array<i32>} : memref<40x1024xf32, #tpu.memory_space<vmem>>, vector<1x16xf32>,
        %get3A_706 = arith.constant 36 : i32
        %get3A_707 = arith.constant 0 : i32
        %get3A_708 = arith.constant 0 : i32
        %get3A_709 = tpu.memref_slice %arg7[%rem3A_245, %get3A_707, %get3A_708] : memref<3x40x1024xf32, #tpu.memory_space<vmem>> -> memref<1x40x1024xf32, #tpu.memory_space<vmem>>
        %get3A_710 = tpu.memref_squeeze %get3A_709 : memref<1x40x1024xf32, #tpu.memory_space<vmem>> -> memref<40x1024xf32, #tpu.memory_space<vmem>>
        %get3A_711 = arith.index_cast %get3A_706 : i32 to index
        %get3A_712 = arith.index_cast %mul3A_351 : i32 to index
        %get3A_713 = tpu.vector_load %get3A_710[%get3A_711, %get3A_712] {strides = array<i32>} : memref<40x1024xf32, #tpu.memory_space<vmem>>, vector<1x16xf32>,
        %get3A_714 = vector.shape_cast %get3A_713 : vector<1x16xf32> to vector<16xf32>
        %get3A_715 = arith.constant 4 : i32
        %get3A_716 = arith.constant 0 : i32
        %get3A_717 = arith.constant 0 : i32
        %get3A_718 = tpu.memref_slice %arg7[%rem3A_245, %get3A_716, %get3A_717] : memref<3x40x1024xf32, #tpu.memory_space<vmem>> -> memref<1x40x1024xf32, #tpu.memory_space<vmem>>
        %get3A_719 = tpu.memref_squeeze %get3A_718 : memref<1x40x1024xf32, #tpu.memory_space<vmem>> -> memref<40x1024xf32, #tpu.memory_space<vmem>>
        %get3A_720 = arith.index_cast %get3A_715 : i32 to index
        %get3A_721 = arith.index_cast %mul3A_351 : i32 to index
        %get3A_722 = tpu.vector_load %get3A_719[%get3A_720, %get3A_721] {strides = array<i32>} : memref<40x1024xf32, #tpu.memory_space<vmem>>, vector<1x16xf32>,
        %get3A_723 = vector.shape_cast %get3A_722 : vector<1x16xf32> to vector<16xf32>
        %add3A_724 = arith.addf %get3A_723, %get3A_714 : vector<16xf32>
        %swap3A_725 = arith.constant 4 : i32
        %swap3A_726 = arith.constant 0 : i32
        %swap3A_727 = arith.constant 0 : i32
        %swap3A_728 = tpu.memref_slice %arg7[%rem3A_245, %swap3A_726, %swap3A_727] : memref<3x40x1024xf32, #tpu.memory_space<vmem>> -> memref<1x40x1024xf32, #tpu.memory_space<vmem>>
        %swap3A_729 = tpu.memref_squeeze %swap3A_728 : memref<1x40x1024xf32, #tpu.memory_space<vmem>> -> memref<40x1024xf32, #tpu.memory_space<vmem>>
        %swap3A_730 = arith.index_cast %swap3A_725 : i32 to index
        %swap3A_731 = arith.index_cast %mul3A_351 : i32 to index
        %swap3A_732 = tpu.vector_load %swap3A_729[%swap3A_730, %swap3A_731] {strides = array<i32>} : memref<40x1024xf32, #tpu.memory_space<vmem>>, vector<1x16xf32>,
        %swap3A_733 = vector.shape_cast %swap3A_732 : vector<1x16xf32> to vector<16xf32>
        %swap3A_734 = vector.shape_cast %add3A_724 : vector<16xf32> to vector<1x16xf32>
        tpu.vector_store %swap3A_729[%swap3A_730, %swap3A_731], %swap3A_734 {strides = array<i32>} : memref<40x1024xf32, #tpu.memory_space<vmem>>, vector<1x16xf32>,
        %get3A_735 = arith.constant 12 : i32
        %get3A_736 = arith.constant 0 : i32
        %get3A_737 = arith.constant 0 : i32
        %get3A_738 = tpu.memref_slice %arg7[%rem3A_245, %get3A_736, %get3A_737] : memref<3x40x1024xf32, #tpu.memory_space<vmem>> -> memref<1x40x1024xf32, #tpu.memory_space<vmem>>
        %get3A_739 = tpu.memref_squeeze %get3A_738 : memref<1x40x1024xf32, #tpu.memory_space<vmem>> -> memref<40x1024xf32, #tpu.memory_space<vmem>>
        %get3A_740 = arith.index_cast %get3A_735 : i32 to index
        %get3A_741 = arith.index_cast %mul3A_351 : i32 to index
        %get3A_742 = tpu.vector_load %get3A_739[%get3A_740, %get3A_741] {strides = array<i32>} : memref<40x1024xf32, #tpu.memory_space<vmem>>, vector<1x16xf32>,
        %get3A_743 = vector.shape_cast %get3A_742 : vector<1x16xf32> to vector<16xf32>
        %add3A_744 = arith.addf %get3A_743, %get3A_714 : vector<16xf32>
        %swap3A_745 = arith.constant 12 : i32
        %swap3A_746 = arith.constant 0 : i32
        %swap3A_747 = arith.constant 0 : i32
        %swap3A_748 = tpu.memref_slice %arg7[%rem3A_245, %swap3A_746, %swap3A_747] : memref<3x40x1024xf32, #tpu.memory_space<vmem>> -> memref<1x40x1024xf32, #tpu.memory_space<vmem>>
        %swap3A_749 = tpu.memref_squeeze %swap3A_748 : memref<1x40x1024xf32, #tpu.memory_space<vmem>> -> memref<40x1024xf32, #tpu.memory_space<vmem>>
        %swap3A_750 = arith.index_cast %swap3A_745 : i32 to index
        %swap3A_751 = arith.index_cast %mul3A_351 : i32 to index
        %swap3A_752 = tpu.vector_load %swap3A_749[%swap3A_750, %swap3A_751] {strides = array<i32>} : memref<40x1024xf32, #tpu.memory_space<vmem>>, vector<1x16xf32>,
        %swap3A_753 = vector.shape_cast %swap3A_752 : vector<1x16xf32> to vector<16xf32>
        %swap3A_754 = vector.shape_cast %add3A_744 : vector<16xf32> to vector<1x16xf32>
        tpu.vector_store %swap3A_749[%swap3A_750, %swap3A_751], %swap3A_754 {strides = array<i32>} : memref<40x1024xf32, #tpu.memory_space<vmem>>, vector<1x16xf32>,
        %get3A_755 = arith.constant 20 : i32
        %get3A_756 = arith.constant 0 : i32
        %get3A_757 = arith.constant 0 : i32
        %get3A_758 = tpu.memref_slice %arg7[%rem3A_245, %get3A_756, %get3A_757] : memref<3x40x1024xf32, #tpu.memory_space<vmem>> -> memref<1x40x1024xf32, #tpu.memory_space<vmem>>
        %get3A_759 = tpu.memref_squeeze %get3A_758 : memref<1x40x1024xf32, #tpu.memory_space<vmem>> -> memref<40x1024xf32, #tpu.memory_space<vmem>>
        %get3A_760 = arith.index_cast %get3A_755 : i32 to index
        %get3A_761 = arith.index_cast %mul3A_351 : i32 to index
        %get3A_762 = tpu.vector_load %get3A_759[%get3A_760, %get3A_761] {strides = array<i32>} : memref<40x1024xf32, #tpu.memory_space<vmem>>, vector<1x16xf32>,
        %get3A_763 = vector.shape_cast %get3A_762 : vector<1x16xf32> to vector<16xf32>
        %add3A_764 = arith.addf %get3A_763, %get3A_714 : vector<16xf32>
        %swap3A_765 = arith.constant 20 : i32
        %swap3A_766 = arith.constant 0 : i32
        %swap3A_767 = arith.constant 0 : i32
        %swap3A_768 = tpu.memref_slice %arg7[%rem3A_245, %swap3A_766, %swap3A_767] : memref<3x40x1024xf32, #tpu.memory_space<vmem>> -> memref<1x40x1024xf32, #tpu.memory_space<vmem>>
        %swap3A_769 = tpu.memref_squeeze %swap3A_768 : memref<1x40x1024xf32, #tpu.memory_space<vmem>> -> memref<40x1024xf32, #tpu.memory_space<vmem>>
        %swap3A_770 = arith.index_cast %swap3A_765 : i32 to index
        %swap3A_771 = arith.index_cast %mul3A_351 : i32 to index
        %swap3A_772 = tpu.vector_load %swap3A_769[%swap3A_770, %swap3A_771] {strides = array<i32>} : memref<40x1024xf32, #tpu.memory_space<vmem>>, vector<1x16xf32>,
        %swap3A_773 = vector.shape_cast %swap3A_772 : vector<1x16xf32> to vector<16xf32>
        %swap3A_774 = vector.shape_cast %add3A_764 : vector<16xf32> to vector<1x16xf32>
        tpu.vector_store %swap3A_769[%swap3A_770, %swap3A_771], %swap3A_774 {strides = array<i32>} : memref<40x1024xf32, #tpu.memory_space<vmem>>, vector<1x16xf32>,
        %get3A_775 = arith.constant 28 : i32
        %get3A_776 = arith.constant 0 : i32
        %get3A_777 = arith.constant 0 : i32
        %get3A_778 = tpu.memref_slice %arg7[%rem3A_245, %get3A_776, %get3A_777] : memref<3x40x1024xf32, #tpu.memory_space<vmem>> -> memref<1x40x1024xf32, #tpu.memory_space<vmem>>
        %get3A_779 = tpu.memref_squeeze %get3A_778 : memref<1x40x1024xf32, #tpu.memory_space<vmem>> -> memref<40x1024xf32, #tpu.memory_space<vmem>>
        %get3A_780 = arith.index_cast %get3A_775 : i32 to index
        %get3A_781 = arith.index_cast %mul3A_351 : i32 to index
        %get3A_782 = tpu.vector_load %get3A_779[%get3A_780, %get3A_781] {strides = array<i32>} : memref<40x1024xf32, #tpu.memory_space<vmem>>, vector<1x16xf32>,
        %get3A_783 = vector.shape_cast %get3A_782 : vector<1x16xf32> to vector<16xf32>
        %add3A_784 = arith.addf %get3A_783, %get3A_714 : vector<16xf32>
        %swap3A_785 = arith.constant 28 : i32
        %swap3A_786 = arith.constant 0 : i32
        %swap3A_787 = arith.constant 0 : i32
        %swap3A_788 = tpu.memref_slice %arg7[%rem3A_245, %swap3A_786, %swap3A_787] : memref<3x40x1024xf32, #tpu.memory_space<vmem>> -> memref<1x40x1024xf32, #tpu.memory_space<vmem>>
        %swap3A_789 = tpu.memref_squeeze %swap3A_788 : memref<1x40x1024xf32, #tpu.memory_space<vmem>> -> memref<40x1024xf32, #tpu.memory_space<vmem>>
        %swap3A_790 = arith.index_cast %swap3A_785 : i32 to index
        %swap3A_791 = arith.index_cast %mul3A_351 : i32 to index
        %swap3A_792 = tpu.vector_load %swap3A_789[%swap3A_790, %swap3A_791] {strides = array<i32>} : memref<40x1024xf32, #tpu.memory_space<vmem>>, vector<1x16xf32>,
        %swap3A_793 = vector.shape_cast %swap3A_792 : vector<1x16xf32> to vector<16xf32>
        %swap3A_794 = vector.shape_cast %add3A_784 : vector<16xf32> to vector<1x16xf32>
        tpu.vector_store %swap3A_789[%swap3A_790, %swap3A_791], %swap3A_794 {strides = array<i32>} : memref<40x1024xf32, #tpu.memory_space<vmem>>, vector<1x16xf32>,
        %get3A_795 = arith.constant 37 : i32
        %get3A_796 = arith.constant 0 : i32
        %get3A_797 = arith.constant 0 : i32
        %get3A_798 = tpu.memref_slice %arg7[%rem3A_245, %get3A_796, %get3A_797] : memref<3x40x1024xf32, #tpu.memory_space<vmem>> -> memref<1x40x1024xf32, #tpu.memory_space<vmem>>
        %get3A_799 = tpu.memref_squeeze %get3A_798 : memref<1x40x1024xf32, #tpu.memory_space<vmem>> -> memref<40x1024xf32, #tpu.memory_space<vmem>>
        %get3A_800 = arith.index_cast %get3A_795 : i32 to index
        %get3A_801 = arith.index_cast %mul3A_351 : i32 to index
        %get3A_802 = tpu.vector_load %get3A_799[%get3A_800, %get3A_801] {strides = array<i32>} : memref<40x1024xf32, #tpu.memory_space<vmem>>, vector<1x16xf32>,
        %get3A_803 = vector.shape_cast %get3A_802 : vector<1x16xf32> to vector<16xf32>
        %get3A_804 = arith.constant 5 : i32
        %get3A_805 = arith.constant 0 : i32
        %get3A_806 = arith.constant 0 : i32
        %get3A_807 = tpu.memref_slice %arg7[%rem3A_245, %get3A_805, %get3A_806] : memref<3x40x1024xf32, #tpu.memory_space<vmem>> -> memref<1x40x1024xf32, #tpu.memory_space<vmem>>
        %get3A_808 = tpu.memref_squeeze %get3A_807 : memref<1x40x1024xf32, #tpu.memory_space<vmem>> -> memref<40x1024xf32, #tpu.memory_space<vmem>>
        %get3A_809 = arith.index_cast %get3A_804 : i32 to index
        %get3A_810 = arith.index_cast %mul3A_351 : i32 to index
        %get3A_811 = tpu.vector_load %get3A_808[%get3A_809, %get3A_810] {strides = array<i32>} : memref<40x1024xf32, #tpu.memory_space<vmem>>, vector<1x16xf32>,
        %get3A_812 = vector.shape_cast %get3A_811 : vector<1x16xf32> to vector<16xf32>
        %add3A_813 = arith.addf %get3A_812, %get3A_803 : vector<16xf32>
        %swap3A_814 = arith.constant 5 : i32
        %swap3A_815 = arith.constant 0 : i32
        %swap3A_816 = arith.constant 0 : i32
        %swap3A_817 = tpu.memref_slice %arg7[%rem3A_245, %swap3A_815, %swap3A_816] : memref<3x40x1024xf32, #tpu.memory_space<vmem>> -> memref<1x40x1024xf32, #tpu.memory_space<vmem>>
        %swap3A_818 = tpu.memref_squeeze %swap3A_817 : memref<1x40x1024xf32, #tpu.memory_space<vmem>> -> memref<40x1024xf32, #tpu.memory_space<vmem>>
        %swap3A_819 = arith.index_cast %swap3A_814 : i32 to index
        %swap3A_820 = arith.index_cast %mul3A_351 : i32 to index
        %swap3A_821 = tpu.vector_load %swap3A_818[%swap3A_819, %swap3A_820] {strides = array<i32>} : memref<40x1024xf32, #tpu.memory_space<vmem>>, vector<1x16xf32>,
        %swap3A_822 = vector.shape_cast %swap3A_821 : vector<1x16xf32> to vector<16xf32>
        %swap3A_823 = vector.shape_cast %add3A_813 : vector<16xf32> to vector<1x16xf32>
        tpu.vector_store %swap3A_818[%swap3A_819, %swap3A_820], %swap3A_823 {strides = array<i32>} : memref<40x1024xf32, #tpu.memory_space<vmem>>, vector<1x16xf32>,
        %get3A_824 = arith.constant 13 : i32
        %get3A_825 = arith.constant 0 : i32
        %get3A_826 = arith.constant 0 : i32
        %get3A_827 = tpu.memref_slice %arg7[%rem3A_245, %get3A_825, %get3A_826] : memref<3x40x1024xf32, #tpu.memory_space<vmem>> -> memref<1x40x1024xf32, #tpu.memory_space<vmem>>
        %get3A_828 = tpu.memref_squeeze %get3A_827 : memref<1x40x1024xf32, #tpu.memory_space<vmem>> -> memref<40x1024xf32, #tpu.memory_space<vmem>>
        %get3A_829 = arith.index_cast %get3A_824 : i32 to index
        %get3A_830 = arith.index_cast %mul3A_351 : i32 to index
        %get3A_831 = tpu.vector_load %get3A_828[%get3A_829, %get3A_830] {strides = array<i32>} : memref<40x1024xf32, #tpu.memory_space<vmem>>, vector<1x16xf32>,
        %get3A_832 = vector.shape_cast %get3A_831 : vector<1x16xf32> to vector<16xf32>
        %add3A_833 = arith.addf %get3A_832, %get3A_803 : vector<16xf32>
        %swap3A_834 = arith.constant 13 : i32
        %swap3A_835 = arith.constant 0 : i32
        %swap3A_836 = arith.constant 0 : i32
        %swap3A_837 = tpu.memref_slice %arg7[%rem3A_245, %swap3A_835, %swap3A_836] : memref<3x40x1024xf32, #tpu.memory_space<vmem>> -> memref<1x40x1024xf32, #tpu.memory_space<vmem>>
        %swap3A_838 = tpu.memref_squeeze %swap3A_837 : memref<1x40x1024xf32, #tpu.memory_space<vmem>> -> memref<40x1024xf32, #tpu.memory_space<vmem>>
        %swap3A_839 = arith.index_cast %swap3A_834 : i32 to index
        %swap3A_840 = arith.index_cast %mul3A_351 : i32 to index
        %swap3A_841 = tpu.vector_load %swap3A_838[%swap3A_839, %swap3A_840] {strides = array<i32>} : memref<40x1024xf32, #tpu.memory_space<vmem>>, vector<1x16xf32>,
        %swap3A_842 = vector.shape_cast %swap3A_841 : vector<1x16xf32> to vector<16xf32>
        %swap3A_843 = vector.shape_cast %add3A_833 : vector<16xf32> to vector<1x16xf32>
        tpu.vector_store %swap3A_838[%swap3A_839, %swap3A_840], %swap3A_843 {strides = array<i32>} : memref<40x1024xf32, #tpu.memory_space<vmem>>, vector<1x16xf32>,
        %get3A_844 = arith.constant 21 : i32
        %get3A_845 = arith.constant 0 : i32
        %get3A_846 = arith.constant 0 : i32
        %get3A_847 = tpu.memref_slice %arg7[%rem3A_245, %get3A_845, %get3A_846] : memref<3x40x1024xf32, #tpu.memory_space<vmem>> -> memref<1x40x1024xf32, #tpu.memory_space<vmem>>
        %get3A_848 = tpu.memref_squeeze %get3A_847 : memref<1x40x1024xf32, #tpu.memory_space<vmem>> -> memref<40x1024xf32, #tpu.memory_space<vmem>>
        %get3A_849 = arith.index_cast %get3A_844 : i32 to index
        %get3A_850 = arith.index_cast %mul3A_351 : i32 to index
        %get3A_851 = tpu.vector_load %get3A_848[%get3A_849, %get3A_850] {strides = array<i32>} : memref<40x1024xf32, #tpu.memory_space<vmem>>, vector<1x16xf32>,
        %get3A_852 = vector.shape_cast %get3A_851 : vector<1x16xf32> to vector<16xf32>
        %add3A_853 = arith.addf %get3A_852, %get3A_803 : vector<16xf32>
        %swap3A_854 = arith.constant 21 : i32
        %swap3A_855 = arith.constant 0 : i32
        %swap3A_856 = arith.constant 0 : i32
        %swap3A_857 = tpu.memref_slice %arg7[%rem3A_245, %swap3A_855, %swap3A_856] : memref<3x40x1024xf32, #tpu.memory_space<vmem>> -> memref<1x40x1024xf32, #tpu.memory_space<vmem>>
        %swap3A_858 = tpu.memref_squeeze %swap3A_857 : memref<1x40x1024xf32, #tpu.memory_space<vmem>> -> memref<40x1024xf32, #tpu.memory_space<vmem>>
        %swap3A_859 = arith.index_cast %swap3A_854 : i32 to index
        %swap3A_860 = arith.index_cast %mul3A_351 : i32 to index
        %swap3A_861 = tpu.vector_load %swap3A_858[%swap3A_859, %swap3A_860] {strides = array<i32>} : memref<40x1024xf32, #tpu.memory_space<vmem>>, vector<1x16xf32>,
        %swap3A_862 = vector.shape_cast %swap3A_861 : vector<1x16xf32> to vector<16xf32>
        %swap3A_863 = vector.shape_cast %add3A_853 : vector<16xf32> to vector<1x16xf32>
        tpu.vector_store %swap3A_858[%swap3A_859, %swap3A_860], %swap3A_863 {strides = array<i32>} : memref<40x1024xf32, #tpu.memory_space<vmem>>, vector<1x16xf32>,
        %get3A_864 = arith.constant 29 : i32
        %get3A_865 = arith.constant 0 : i32
        %get3A_866 = arith.constant 0 : i32
        %get3A_867 = tpu.memref_slice %arg7[%rem3A_245, %get3A_865, %get3A_866] : memref<3x40x1024xf32, #tpu.memory_space<vmem>> -> memref<1x40x1024xf32, #tpu.memory_space<vmem>>
        %get3A_868 = tpu.memref_squeeze %get3A_867 : memref<1x40x1024xf32, #tpu.memory_space<vmem>> -> memref<40x1024xf32, #tpu.memory_space<vmem>>
        %get3A_869 = arith.index_cast %get3A_864 : i32 to index
        %get3A_870 = arith.index_cast %mul3A_351 : i32 to index
        %get3A_871 = tpu.vector_load %get3A_868[%get3A_869, %get3A_870] {strides = array<i32>} : memref<40x1024xf32, #tpu.memory_space<vmem>>, vector<1x16xf32>,
        %get3A_872 = vector.shape_cast %get3A_871 : vector<1x16xf32> to vector<16xf32>
        %add3A_873 = arith.addf %get3A_872, %get3A_803 : vector<16xf32>
        %swap3A_874 = arith.constant 29 : i32
        %swap3A_875 = arith.constant 0 : i32
        %swap3A_876 = arith.constant 0 : i32
        %swap3A_877 = tpu.memref_slice %arg7[%rem3A_245, %swap3A_875, %swap3A_876] : memref<3x40x1024xf32, #tpu.memory_space<vmem>> -> memref<1x40x1024xf32, #tpu.memory_space<vmem>>
        %swap3A_878 = tpu.memref_squeeze %swap3A_877 : memref<1x40x1024xf32, #tpu.memory_space<vmem>> -> memref<40x1024xf32, #tpu.memory_space<vmem>>
        %swap3A_879 = arith.index_cast %swap3A_874 : i32 to index
        %swap3A_880 = arith.index_cast %mul3A_351 : i32 to index
        %swap3A_881 = tpu.vector_load %swap3A_878[%swap3A_879, %swap3A_880] {strides = array<i32>} : memref<40x1024xf32, #tpu.memory_space<vmem>>, vector<1x16xf32>,
        %swap3A_882 = vector.shape_cast %swap3A_881 : vector<1x16xf32> to vector<16xf32>
        %swap3A_883 = vector.shape_cast %add3A_873 : vector<16xf32> to vector<1x16xf32>
        tpu.vector_store %swap3A_878[%swap3A_879, %swap3A_880], %swap3A_883 {strides = array<i32>} : memref<40x1024xf32, #tpu.memory_space<vmem>>, vector<1x16xf32>,
        %get3A_884 = arith.constant 38 : i32
        %get3A_885 = arith.constant 0 : i32
        %get3A_886 = arith.constant 0 : i32
        %get3A_887 = tpu.memref_slice %arg7[%rem3A_245, %get3A_885, %get3A_886] : memref<3x40x1024xf32, #tpu.memory_space<vmem>> -> memref<1x40x1024xf32, #tpu.memory_space<vmem>>
        %get3A_888 = tpu.memref_squeeze %get3A_887 : memref<1x40x1024xf32, #tpu.memory_space<vmem>> -> memref<40x1024xf32, #tpu.memory_space<vmem>>
        %get3A_889 = arith.index_cast %get3A_884 : i32 to index
        %get3A_890 = arith.index_cast %mul3A_351 : i32 to index
        %get3A_891 = tpu.vector_load %get3A_888[%get3A_889, %get3A_890] {strides = array<i32>} : memref<40x1024xf32, #tpu.memory_space<vmem>>, vector<1x16xf32>,
        %get3A_892 = vector.shape_cast %get3A_891 : vector<1x16xf32> to vector<16xf32>
        %get3A_893 = arith.constant 6 : i32
        %get3A_894 = arith.constant 0 : i32
        %get3A_895 = arith.constant 0 : i32
        %get3A_896 = tpu.memref_slice %arg7[%rem3A_245, %get3A_894, %get3A_895] : memref<3x40x1024xf32, #tpu.memory_space<vmem>> -> memref<1x40x1024xf32, #tpu.memory_space<vmem>>
        %get3A_897 = tpu.memref_squeeze %get3A_896 : memref<1x40x1024xf32, #tpu.memory_space<vmem>> -> memref<40x1024xf32, #tpu.memory_space<vmem>>
        %get3A_898 = arith.index_cast %get3A_893 : i32 to index
        %get3A_899 = arith.index_cast %mul3A_351 : i32 to index
        %get3A_900 = tpu.vector_load %get3A_897[%get3A_898, %get3A_899] {strides = array<i32>} : memref<40x1024xf32, #tpu.memory_space<vmem>>, vector<1x16xf32>,
        %get3A_901 = vector.shape_cast %get3A_900 : vector<1x16xf32> to vector<16xf32>
        %add3A_902 = arith.addf %get3A_901, %get3A_892 : vector<16xf32>
        %swap3A_903 = arith.constant 6 : i32
        %swap3A_904 = arith.constant 0 : i32
        %swap3A_905 = arith.constant 0 : i32
        %swap3A_906 = tpu.memref_slice %arg7[%rem3A_245, %swap3A_904, %swap3A_905] : memref<3x40x1024xf32, #tpu.memory_space<vmem>> -> memref<1x40x1024xf32, #tpu.memory_space<vmem>>
        %swap3A_907 = tpu.memref_squeeze %swap3A_906 : memref<1x40x1024xf32, #tpu.memory_space<vmem>> -> memref<40x1024xf32, #tpu.memory_space<vmem>>
        %swap3A_908 = arith.index_cast %swap3A_903 : i32 to index
        %swap3A_909 = arith.index_cast %mul3A_351 : i32 to index
        %swap3A_910 = tpu.vector_load %swap3A_907[%swap3A_908, %swap3A_909] {strides = array<i32>} : memref<40x1024xf32, #tpu.memory_space<vmem>>, vector<1x16xf32>,
        %swap3A_911 = vector.shape_cast %swap3A_910 : vector<1x16xf32> to vector<16xf32>
        %swap3A_912 = vector.shape_cast %add3A_902 : vector<16xf32> to vector<1x16xf32>
        tpu.vector_store %swap3A_907[%swap3A_908, %swap3A_909], %swap3A_912 {strides = array<i32>} : memref<40x1024xf32, #tpu.memory_space<vmem>>, vector<1x16xf32>,
        %get3A_913 = arith.constant 14 : i32
        %get3A_914 = arith.constant 0 : i32
        %get3A_915 = arith.constant 0 : i32
        %get3A_916 = tpu.memref_slice %arg7[%rem3A_245, %get3A_914, %get3A_915] : memref<3x40x1024xf32, #tpu.memory_space<vmem>> -> memref<1x40x1024xf32, #tpu.memory_space<vmem>>
        %get3A_917 = tpu.memref_squeeze %get3A_916 : memref<1x40x1024xf32, #tpu.memory_space<vmem>> -> memref<40x1024xf32, #tpu.memory_space<vmem>>
        %get3A_918 = arith.index_cast %get3A_913 : i32 to index
        %get3A_919 = arith.index_cast %mul3A_351 : i32 to index
        %get3A_920 = tpu.vector_load %get3A_917[%get3A_918, %get3A_919] {strides = array<i32>} : memref<40x1024xf32, #tpu.memory_space<vmem>>, vector<1x16xf32>,
        %get3A_921 = vector.shape_cast %get3A_920 : vector<1x16xf32> to vector<16xf32>
        %add3A_922 = arith.addf %get3A_921, %get3A_892 : vector<16xf32>
        %swap3A_923 = arith.constant 14 : i32
        %swap3A_924 = arith.constant 0 : i32
        %swap3A_925 = arith.constant 0 : i32
        %swap3A_926 = tpu.memref_slice %arg7[%rem3A_245, %swap3A_924, %swap3A_925] : memref<3x40x1024xf32, #tpu.memory_space<vmem>> -> memref<1x40x1024xf32, #tpu.memory_space<vmem>>
        %swap3A_927 = tpu.memref_squeeze %swap3A_926 : memref<1x40x1024xf32, #tpu.memory_space<vmem>> -> memref<40x1024xf32, #tpu.memory_space<vmem>>
        %swap3A_928 = arith.index_cast %swap3A_923 : i32 to index
        %swap3A_929 = arith.index_cast %mul3A_351 : i32 to index
        %swap3A_930 = tpu.vector_load %swap3A_927[%swap3A_928, %swap3A_929] {strides = array<i32>} : memref<40x1024xf32, #tpu.memory_space<vmem>>, vector<1x16xf32>,
        %swap3A_931 = vector.shape_cast %swap3A_930 : vector<1x16xf32> to vector<16xf32>
        %swap3A_932 = vector.shape_cast %add3A_922 : vector<16xf32> to vector<1x16xf32>
        tpu.vector_store %swap3A_927[%swap3A_928, %swap3A_929], %swap3A_932 {strides = array<i32>} : memref<40x1024xf32, #tpu.memory_space<vmem>>, vector<1x16xf32>,
        %get3A_933 = arith.constant 22 : i32
        %get3A_934 = arith.constant 0 : i32
        %get3A_935 = arith.constant 0 : i32
        %get3A_936 = tpu.memref_slice %arg7[%rem3A_245, %get3A_934, %get3A_935] : memref<3x40x1024xf32, #tpu.memory_space<vmem>> -> memref<1x40x1024xf32, #tpu.memory_space<vmem>>
        %get3A_937 = tpu.memref_squeeze %get3A_936 : memref<1x40x1024xf32, #tpu.memory_space<vmem>> -> memref<40x1024xf32, #tpu.memory_space<vmem>>
        %get3A_938 = arith.index_cast %get3A_933 : i32 to index
        %get3A_939 = arith.index_cast %mul3A_351 : i32 to index
        %get3A_940 = tpu.vector_load %get3A_937[%get3A_938, %get3A_939] {strides = array<i32>} : memref<40x1024xf32, #tpu.memory_space<vmem>>, vector<1x16xf32>,
        %get3A_941 = vector.shape_cast %get3A_940 : vector<1x16xf32> to vector<16xf32>
        %add3A_942 = arith.addf %get3A_941, %get3A_892 : vector<16xf32>
        %swap3A_943 = arith.constant 22 : i32
        %swap3A_944 = arith.constant 0 : i32
        %swap3A_945 = arith.constant 0 : i32
        %swap3A_946 = tpu.memref_slice %arg7[%rem3A_245, %swap3A_944, %swap3A_945] : memref<3x40x1024xf32, #tpu.memory_space<vmem>> -> memref<1x40x1024xf32, #tpu.memory_space<vmem>>
        %swap3A_947 = tpu.memref_squeeze %swap3A_946 : memref<1x40x1024xf32, #tpu.memory_space<vmem>> -> memref<40x1024xf32, #tpu.memory_space<vmem>>
        %swap3A_948 = arith.index_cast %swap3A_943 : i32 to index
        %swap3A_949 = arith.index_cast %mul3A_351 : i32 to index
        %swap3A_950 = tpu.vector_load %swap3A_947[%swap3A_948, %swap3A_949] {strides = array<i32>} : memref<40x1024xf32, #tpu.memory_space<vmem>>, vector<1x16xf32>,
        %swap3A_951 = vector.shape_cast %swap3A_950 : vector<1x16xf32> to vector<16xf32>
        %swap3A_952 = vector.shape_cast %add3A_942 : vector<16xf32> to vector<1x16xf32>
        tpu.vector_store %swap3A_947[%swap3A_948, %swap3A_949], %swap3A_952 {strides = array<i32>} : memref<40x1024xf32, #tpu.memory_space<vmem>>, vector<1x16xf32>,
        %get3A_953 = arith.constant 30 : i32
        %get3A_954 = arith.constant 0 : i32
        %get3A_955 = arith.constant 0 : i32
        %get3A_956 = tpu.memref_slice %arg7[%rem3A_245, %get3A_954, %get3A_955] : memref<3x40x1024xf32, #tpu.memory_space<vmem>> -> memref<1x40x1024xf32, #tpu.memory_space<vmem>>
        %get3A_957 = tpu.memref_squeeze %get3A_956 : memref<1x40x1024xf32, #tpu.memory_space<vmem>> -> memref<40x1024xf32, #tpu.memory_space<vmem>>
        %get3A_958 = arith.index_cast %get3A_953 : i32 to index
        %get3A_959 = arith.index_cast %mul3A_351 : i32 to index
        %get3A_960 = tpu.vector_load %get3A_957[%get3A_958, %get3A_959] {strides = array<i32>} : memref<40x1024xf32, #tpu.memory_space<vmem>>, vector<1x16xf32>,
        %get3A_961 = vector.shape_cast %get3A_960 : vector<1x16xf32> to vector<16xf32>
        %add3A_962 = arith.addf %get3A_961, %get3A_892 : vector<16xf32>
        %swap3A_963 = arith.constant 30 : i32
        %swap3A_964 = arith.constant 0 : i32
        %swap3A_965 = arith.constant 0 : i32
        %swap3A_966 = tpu.memref_slice %arg7[%rem3A_245, %swap3A_964, %swap3A_965] : memref<3x40x1024xf32, #tpu.memory_space<vmem>> -> memref<1x40x1024xf32, #tpu.memory_space<vmem>>
        %swap3A_967 = tpu.memref_squeeze %swap3A_966 : memref<1x40x1024xf32, #tpu.memory_space<vmem>> -> memref<40x1024xf32, #tpu.memory_space<vmem>>
        %swap3A_968 = arith.index_cast %swap3A_963 : i32 to index
        %swap3A_969 = arith.index_cast %mul3A_351 : i32 to index
        %swap3A_970 = tpu.vector_load %swap3A_967[%swap3A_968, %swap3A_969] {strides = array<i32>} : memref<40x1024xf32, #tpu.memory_space<vmem>>, vector<1x16xf32>,
        %swap3A_971 = vector.shape_cast %swap3A_970 : vector<1x16xf32> to vector<16xf32>
        %swap3A_972 = vector.shape_cast %add3A_962 : vector<16xf32> to vector<1x16xf32>
        tpu.vector_store %swap3A_967[%swap3A_968, %swap3A_969], %swap3A_972 {strides = array<i32>} : memref<40x1024xf32, #tpu.memory_space<vmem>>, vector<1x16xf32>,
        %get3A_973 = arith.constant 39 : i32
        %get3A_974 = arith.constant 0 : i32
        %get3A_975 = arith.constant 0 : i32
        %get3A_976 = tpu.memref_slice %arg7[%rem3A_245, %get3A_974, %get3A_975] : memref<3x40x1024xf32, #tpu.memory_space<vmem>> -> memref<1x40x1024xf32, #tpu.memory_space<vmem>>
        %get3A_977 = tpu.memref_squeeze %get3A_976 : memref<1x40x1024xf32, #tpu.memory_space<vmem>> -> memref<40x1024xf32, #tpu.memory_space<vmem>>
        %get3A_978 = arith.index_cast %get3A_973 : i32 to index
        %get3A_979 = arith.index_cast %mul3A_351 : i32 to index
        %get3A_980 = tpu.vector_load %get3A_977[%get3A_978, %get3A_979] {strides = array<i32>} : memref<40x1024xf32, #tpu.memory_space<vmem>>, vector<1x16xf32>,
        %get3A_981 = vector.shape_cast %get3A_980 : vector<1x16xf32> to vector<16xf32>
        %get3A_982 = arith.constant 7 : i32
        %get3A_983 = arith.constant 0 : i32
        %get3A_984 = arith.constant 0 : i32
        %get3A_985 = tpu.memref_slice %arg7[%rem3A_245, %get3A_983, %get3A_984] : memref<3x40x1024xf32, #tpu.memory_space<vmem>> -> memref<1x40x1024xf32, #tpu.memory_space<vmem>>
        %get3A_986 = tpu.memref_squeeze %get3A_985 : memref<1x40x1024xf32, #tpu.memory_space<vmem>> -> memref<40x1024xf32, #tpu.memory_space<vmem>>
        %get3A_987 = arith.index_cast %get3A_982 : i32 to index
        %get3A_988 = arith.index_cast %mul3A_351 : i32 to index
        %get3A_989 = tpu.vector_load %get3A_986[%get3A_987, %get3A_988] {strides = array<i32>} : memref<40x1024xf32, #tpu.memory_space<vmem>>, vector<1x16xf32>,
        %get3A_990 = vector.shape_cast %get3A_989 : vector<1x16xf32> to vector<16xf32>
        %add3A_991 = arith.addf %get3A_990, %get3A_981 : vector<16xf32>
        %swap3A_992 = arith.constant 7 : i32
        %swap3A_993 = arith.constant 0 : i32
        %swap3A_994 = arith.constant 0 : i32
        %swap3A_995 = tpu.memref_slice %arg7[%rem3A_245, %swap3A_993, %swap3A_994] : memref<3x40x1024xf32, #tpu.memory_space<vmem>> -> memref<1x40x1024xf32, #tpu.memory_space<vmem>>
        %swap3A_996 = tpu.memref_squeeze %swap3A_995 : memref<1x40x1024xf32, #tpu.memory_space<vmem>> -> memref<40x1024xf32, #tpu.memory_space<vmem>>
        %swap3A_997 = arith.index_cast %swap3A_992 : i32 to index
        %swap3A_998 = arith.index_cast %mul3A_351 : i32 to index
        %swap3A_999 = tpu.vector_load %swap3A_996[%swap3A_997, %swap3A_998] {strides = array<i32>} : memref<40x1024xf32, #tpu.memory_space<vmem>>, vector<1x16xf32>,
        %swap3A_1000 = vector.shape_cast %swap3A_999 : vector<1x16xf32> to vector<16xf32>
        %swap3A_1001 = vector.shape_cast %add3A_991 : vector<16xf32> to vector<1x16xf32>
        tpu.vector_store %swap3A_996[%swap3A_997, %swap3A_998], %swap3A_1001 {strides = array<i32>} : memref<40x1024xf32, #tpu.memory_space<vmem>>, vector<1x16xf32>,
        %get3A_1002 = arith.constant 15 : i32
        %get3A_1003 = arith.constant 0 : i32
        %get3A_1004 = arith.constant 0 : i32
        %get3A_1005 = tpu.memref_slice %arg7[%rem3A_245, %get3A_1003, %get3A_1004] : memref<3x40x1024xf32, #tpu.memory_space<vmem>> -> memref<1x40x1024xf32, #tpu.memory_space<vmem>>
        %get3A_1006 = tpu.memref_squeeze %get3A_1005 : memref<1x40x1024xf32, #tpu.memory_space<vmem>> -> memref<40x1024xf32, #tpu.memory_space<vmem>>
        %get3A_1007 = arith.index_cast %get3A_1002 : i32 to index
        %get3A_1008 = arith.index_cast %mul3A_351 : i32 to index
        %get3A_1009 = tpu.vector_load %get3A_1006[%get3A_1007, %get3A_1008] {strides = array<i32>} : memref<40x1024xf32, #tpu.memory_space<vmem>>, vector<1x16xf32>,
        %get3A_1010 = vector.shape_cast %get3A_1009 : vector<1x16xf32> to vector<16xf32>
        %add3A_1011 = arith.addf %get3A_1010, %get3A_981 : vector<16xf32>
        %swap3A_1012 = arith.constant 15 : i32
        %swap3A_1013 = arith.constant 0 : i32
        %swap3A_1014 = arith.constant 0 : i32
        %swap3A_1015 = tpu.memref_slice %arg7[%rem3A_245, %swap3A_1013, %swap3A_1014] : memref<3x40x1024xf32, #tpu.memory_space<vmem>> -> memref<1x40x1024xf32, #tpu.memory_space<vmem>>
        %swap3A_1016 = tpu.memref_squeeze %swap3A_1015 : memref<1x40x1024xf32, #tpu.memory_space<vmem>> -> memref<40x1024xf32, #tpu.memory_space<vmem>>
        %swap3A_1017 = arith.index_cast %swap3A_1012 : i32 to index
        %swap3A_1018 = arith.index_cast %mul3A_351 : i32 to index
        %swap3A_1019 = tpu.vector_load %swap3A_1016[%swap3A_1017, %swap3A_1018] {strides = array<i32>} : memref<40x1024xf32, #tpu.memory_space<vmem>>, vector<1x16xf32>,
        %swap3A_1020 = vector.shape_cast %swap3A_1019 : vector<1x16xf32> to vector<16xf32>
        %swap3A_1021 = vector.shape_cast %add3A_1011 : vector<16xf32> to vector<1x16xf32>
        tpu.vector_store %swap3A_1016[%swap3A_1017, %swap3A_1018], %swap3A_1021 {strides = array<i32>} : memref<40x1024xf32, #tpu.memory_space<vmem>>, vector<1x16xf32>,
        %get3A_1022 = arith.constant 23 : i32
        %get3A_1023 = arith.constant 0 : i32
        %get3A_1024 = arith.constant 0 : i32
        %get3A_1025 = tpu.memref_slice %arg7[%rem3A_245, %get3A_1023, %get3A_1024] : memref<3x40x1024xf32, #tpu.memory_space<vmem>> -> memref<1x40x1024xf32, #tpu.memory_space<vmem>>
        %get3A_1026 = tpu.memref_squeeze %get3A_1025 : memref<1x40x1024xf32, #tpu.memory_space<vmem>> -> memref<40x1024xf32, #tpu.memory_space<vmem>>
        %get3A_1027 = arith.index_cast %get3A_1022 : i32 to index
        %get3A_1028 = arith.index_cast %mul3A_351 : i32 to index
        %get3A_1029 = tpu.vector_load %get3A_1026[%get3A_1027, %get3A_1028] {strides = array<i32>} : memref<40x1024xf32, #tpu.memory_space<vmem>>, vector<1x16xf32>,
        %get3A_1030 = vector.shape_cast %get3A_1029 : vector<1x16xf32> to vector<16xf32>
        %add3A_1031 = arith.addf %get3A_1030, %get3A_981 : vector<16xf32>
        %swap3A_1032 = arith.constant 23 : i32
        %swap3A_1033 = arith.constant 0 : i32
        %swap3A_1034 = arith.constant 0 : i32
        %swap3A_1035 = tpu.memref_slice %arg7[%rem3A_245, %swap3A_1033, %swap3A_1034] : memref<3x40x1024xf32, #tpu.memory_space<vmem>> -> memref<1x40x1024xf32, #tpu.memory_space<vmem>>
        %swap3A_1036 = tpu.memref_squeeze %swap3A_1035 : memref<1x40x1024xf32, #tpu.memory_space<vmem>> -> memref<40x1024xf32, #tpu.memory_space<vmem>>
        %swap3A_1037 = arith.index_cast %swap3A_1032 : i32 to index
        %swap3A_1038 = arith.index_cast %mul3A_351 : i32 to index
        %swap3A_1039 = tpu.vector_load %swap3A_1036[%swap3A_1037, %swap3A_1038] {strides = array<i32>} : memref<40x1024xf32, #tpu.memory_space<vmem>>, vector<1x16xf32>,
        %swap3A_1040 = vector.shape_cast %swap3A_1039 : vector<1x16xf32> to vector<16xf32>
        %swap3A_1041 = vector.shape_cast %add3A_1031 : vector<16xf32> to vector<1x16xf32>
        tpu.vector_store %swap3A_1036[%swap3A_1037, %swap3A_1038], %swap3A_1041 {strides = array<i32>} : memref<40x1024xf32, #tpu.memory_space<vmem>>, vector<1x16xf32>,
        %get3A_1042 = arith.constant 31 : i32
        %get3A_1043 = arith.constant 0 : i32
        %get3A_1044 = arith.constant 0 : i32
        %get3A_1045 = tpu.memref_slice %arg7[%rem3A_245, %get3A_1043, %get3A_1044] : memref<3x40x1024xf32, #tpu.memory_space<vmem>> -> memref<1x40x1024xf32, #tpu.memory_space<vmem>>
        %get3A_1046 = tpu.memref_squeeze %get3A_1045 : memref<1x40x1024xf32, #tpu.memory_space<vmem>> -> memref<40x1024xf32, #tpu.memory_space<vmem>>
        %get3A_1047 = arith.index_cast %get3A_1042 : i32 to index
        %get3A_1048 = arith.index_cast %mul3A_351 : i32 to index
        %get3A_1049 = tpu.vector_load %get3A_1046[%get3A_1047, %get3A_1048] {strides = array<i32>} : memref<40x1024xf32, #tpu.memory_space<vmem>>, vector<1x16xf32>,
        %get3A_1050 = vector.shape_cast %get3A_1049 : vector<1x16xf32> to vector<16xf32>
        %add3A_1051 = arith.addf %get3A_1050, %get3A_981 : vector<16xf32>
        %swap3A_1052 = arith.constant 31 : i32
        %swap3A_1053 = arith.constant 0 : i32
        %swap3A_1054 = arith.constant 0 : i32
        %swap3A_1055 = tpu.memref_slice %arg7[%rem3A_245, %swap3A_1053, %swap3A_1054] : memref<3x40x1024xf32, #tpu.memory_space<vmem>> -> memref<1x40x1024xf32, #tpu.memory_space<vmem>>
        %swap3A_1056 = tpu.memref_squeeze %swap3A_1055 : memref<1x40x1024xf32, #tpu.memory_space<vmem>> -> memref<40x1024xf32, #tpu.memory_space<vmem>>
        %swap3A_1057 = arith.index_cast %swap3A_1052 : i32 to index
        %swap3A_1058 = arith.index_cast %mul3A_351 : i32 to index
        %swap3A_1059 = tpu.vector_load %swap3A_1056[%swap3A_1057, %swap3A_1058] {strides = array<i32>} : memref<40x1024xf32, #tpu.memory_space<vmem>>, vector<1x16xf32>,
        %swap3A_1060 = vector.shape_cast %swap3A_1059 : vector<1x16xf32> to vector<16xf32>
        %swap3A_1061 = vector.shape_cast %add3A_1051 : vector<16xf32> to vector<1x16xf32>
        tpu.vector_store %swap3A_1056[%swap3A_1057, %swap3A_1058], %swap3A_1061 {strides = array<i32>} : memref<40x1024xf32, #tpu.memory_space<vmem>>, vector<1x16xf32>,
      }
      %scan3A_251 = arith.constant 64 : i32
      %rem3A_252 = arith.constant 3 : i32
      %rem3A_253 = arith.remsi %add3A_225, %rem3A_252 : i32
      %mul3A_254 = arith.constant 8 : i32
      %mul3A_255 = arith.muli %add3A_225, %mul3A_254 : i32
      %add3A_256 = arith.addi %mul3A_2, %mul3A_255 : i32
      %dma_start3A_257 = arith.constant 0 : i32
      %dma_start3A_258 = arith.constant 0 : i32
      %dma_start3A_259 = arith.constant 0 : i32
      %dma_start3A_260 = tpu.memref_slice %arg7[%rem3A_253, %dma_start3A_258, %dma_start3A_259] : memref<3x40x1024xf32, #tpu.memory_space<vmem>> -> memref<1x8x1024xf32, #tpu.memory_space<vmem>>
      %dma_start3A_261 = tpu.memref_squeeze %dma_start3A_260 : memref<1x8x1024xf32, #tpu.memory_space<vmem>> -> memref<8x1024xf32, #tpu.memory_space<vmem>>
      %dma_start3A_262 = arith.constant 0 : i32
      %dma_start3A_263 = tpu.memref_slice %arg5[%add3A_256, %dma_start3A_257, %dma_start3A_262] : memref<8192x4x1024xf32, #tpu.memory_space<hbm>> -> memref<8x1x1024xf32, #tpu.memory_space<hbm>>
      %dma_start3A_264 = tpu.memref_squeeze %dma_start3A_263 : memref<8x1x1024xf32, #tpu.memory_space<hbm>> -> memref<8x1024xf32, #tpu.memory_space<hbm>>
      %dma_start3A_265 = tpu.memref_slice %arg9[%rem3A_253] : memref<3x!tpu.dma_semaphore, #tpu.memory_space<semaphore_mem>> -> memref<1x!tpu.dma_semaphore, #tpu.memory_space<semaphore_mem>>
      %dma_start3A_266 = tpu.memref_squeeze %dma_start3A_265 : memref<1x!tpu.dma_semaphore, #tpu.memory_space<semaphore_mem>> -> memref<!tpu.dma_semaphore, #tpu.memory_space<semaphore_mem>>
      %dma_start3A_267 = arith.constant 0 : i32
      %dma_start3A_268 = tpu.memref_slice %arg5[%add3A_256, %dma_start3A_257, %dma_start3A_267] : memref<8192x4x1024xf32, #tpu.memory_space<hbm>> -> memref<8x1x1024xf32, #tpu.memory_space<hbm>>
      %dma_start3A_269 = tpu.memref_squeeze %dma_start3A_268 : memref<8x1x1024xf32, #tpu.memory_space<hbm>> -> memref<8x1024xf32, #tpu.memory_space<hbm>>
      %dma_start3A_270 = arith.constant 0 : i32
      %dma_start3A_271 = arith.constant 0 : i32
      %dma_start3A_272 = tpu.memref_slice %arg7[%rem3A_253, %dma_start3A_270, %dma_start3A_271] : memref<3x40x1024xf32, #tpu.memory_space<vmem>> -> memref<1x8x1024xf32, #tpu.memory_space<vmem>>
      %dma_start3A_273 = tpu.memref_squeeze %dma_start3A_272 : memref<1x8x1024xf32, #tpu.memory_space<vmem>> -> memref<8x1024xf32, #tpu.memory_space<vmem>>
      tpu.enqueue_dma source(%dma_start3A_273 : memref<8x1024xf32, #tpu.memory_space<vmem>>) target(%dma_start3A_269 : memref<8x1024xf32, #tpu.memory_space<hbm>>) target_semaphore(%dma_start3A_266 : memref<!tpu.dma_semaphore, #tpu.memory_space<semaphore_mem>>)
      %mul3A_274 = arith.constant 8 : i32
      %mul3A_275 = arith.muli %add3A_225, %mul3A_274 : i32
      %add3A_276 = arith.addi %mul3A_2, %mul3A_275 : i32
      %dma_start3A_277 = arith.constant 1 : i32
      %dma_start3A_278 = arith.constant 8 : i32
      %dma_start3A_279 = arith.constant 0 : i32
      %dma_start3A_280 = tpu.memref_slice %arg7[%rem3A_253, %dma_start3A_278, %dma_start3A_279] : memref<3x40x1024xf32, #tpu.memory_space<vmem>> -> memref<1x8x1024xf32, #tpu.memory_space<vmem>>
      %dma_start3A_281 = tpu.memref_squeeze %dma_start3A_280 : memref<1x8x1024xf32, #tpu.memory_space<vmem>> -> memref<8x1024xf32, #tpu.memory_space<vmem>>
      %dma_start3A_282 = arith.constant 0 : i32
      %dma_start3A_283 = tpu.memref_slice %arg5[%add3A_276, %dma_start3A_277, %dma_start3A_282] : memref<8192x4x1024xf32, #tpu.memory_space<hbm>> -> memref<8x1x1024xf32, #tpu.memory_space<hbm>>
      %dma_start3A_284 = tpu.memref_squeeze %dma_start3A_283 : memref<8x1x1024xf32, #tpu.memory_space<hbm>> -> memref<8x1024xf32, #tpu.memory_space<hbm>>
      %dma_start3A_285 = tpu.memref_slice %arg9[%rem3A_253] : memref<3x!tpu.dma_semaphore, #tpu.memory_space<semaphore_mem>> -> memref<1x!tpu.dma_semaphore, #tpu.memory_space<semaphore_mem>>
      %dma_start3A_286 = tpu.memref_squeeze %dma_start3A_285 : memref<1x!tpu.dma_semaphore, #tpu.memory_space<semaphore_mem>> -> memref<!tpu.dma_semaphore, #tpu.memory_space<semaphore_mem>>
      %dma_start3A_287 = arith.constant 0 : i32
      %dma_start3A_288 = tpu.memref_slice %arg5[%add3A_276, %dma_start3A_277, %dma_start3A_287] : memref<8192x4x1024xf32, #tpu.memory_space<hbm>> -> memref<8x1x1024xf32, #tpu.memory_space<hbm>>
      %dma_start3A_289 = tpu.memref_squeeze %dma_start3A_288 : memref<8x1x1024xf32, #tpu.memory_space<hbm>> -> memref<8x1024xf32, #tpu.memory_space<hbm>>
      %dma_start3A_290 = arith.constant 8 : i32
      %dma_start3A_291 = arith.constant 0 : i32
      %dma_start3A_292 = tpu.memref_slice %arg7[%rem3A_253, %dma_start3A_290, %dma_start3A_291] : memref<3x40x1024xf32, #tpu.memory_space<vmem>> -> memref<1x8x1024xf32, #tpu.memory_space<vmem>>
      %dma_start3A_293 = tpu.memref_squeeze %dma_start3A_292 : memref<1x8x1024xf32, #tpu.memory_space<vmem>> -> memref<8x1024xf32, #tpu.memory_space<vmem>>
      tpu.enqueue_dma source(%dma_start3A_293 : memref<8x1024xf32, #tpu.memory_space<vmem>>) target(%dma_start3A_289 : memref<8x1024xf32, #tpu.memory_space<hbm>>) target_semaphore(%dma_start3A_286 : memref<!tpu.dma_semaphore, #tpu.memory_space<semaphore_mem>>)
      %mul3A_294 = arith.constant 8 : i32
      %mul3A_295 = arith.muli %add3A_225, %mul3A_294 : i32
      %add3A_296 = arith.addi %mul3A_2, %mul3A_295 : i32
      %dma_start3A_297 = arith.constant 2 : i32
      %dma_start3A_298 = arith.constant 16 : i32
      %dma_start3A_299 = arith.constant 0 : i32
      %dma_start3A_300 = tpu.memref_slice %arg7[%rem3A_253, %dma_start3A_298, %dma_start3A_299] : memref<3x40x1024xf32, #tpu.memory_space<vmem>> -> memref<1x8x1024xf32, #tpu.memory_space<vmem>>
      %dma_start3A_301 = tpu.memref_squeeze %dma_start3A_300 : memref<1x8x1024xf32, #tpu.memory_space<vmem>> -> memref<8x1024xf32, #tpu.memory_space<vmem>>
      %dma_start3A_302 = arith.constant 0 : i32
      %dma_start3A_303 = tpu.memref_slice %arg5[%add3A_296, %dma_start3A_297, %dma_start3A_302] : memref<8192x4x1024xf32, #tpu.memory_space<hbm>> -> memref<8x1x1024xf32, #tpu.memory_space<hbm>>
      %dma_start3A_304 = tpu.memref_squeeze %dma_start3A_303 : memref<8x1x1024xf32, #tpu.memory_space<hbm>> -> memref<8x1024xf32, #tpu.memory_space<hbm>>
      %dma_start3A_305 = tpu.memref_slice %arg9[%rem3A_253] : memref<3x!tpu.dma_semaphore, #tpu.memory_space<semaphore_mem>> -> memref<1x!tpu.dma_semaphore, #tpu.memory_space<semaphore_mem>>
      %dma_start3A_306 = tpu.memref_squeeze %dma_start3A_305 : memref<1x!tpu.dma_semaphore, #tpu.memory_space<semaphore_mem>> -> memref<!tpu.dma_semaphore, #tpu.memory_space<semaphore_mem>>
      %dma_start3A_307 = arith.constant 0 : i32
      %dma_start3A_308 = tpu.memref_slice %arg5[%add3A_296, %dma_start3A_297, %dma_start3A_307] : memref<8192x4x1024xf32, #tpu.memory_space<hbm>> -> memref<8x1x1024xf32, #tpu.memory_space<hbm>>
      %dma_start3A_309 = tpu.memref_squeeze %dma_start3A_308 : memref<8x1x1024xf32, #tpu.memory_space<hbm>> -> memref<8x1024xf32, #tpu.memory_space<hbm>>
      %dma_start3A_310 = arith.constant 16 : i32
      %dma_start3A_311 = arith.constant 0 : i32
      %dma_start3A_312 = tpu.memref_slice %arg7[%rem3A_253, %dma_start3A_310, %dma_start3A_311] : memref<3x40x1024xf32, #tpu.memory_space<vmem>> -> memref<1x8x1024xf32, #tpu.memory_space<vmem>>
      %dma_start3A_313 = tpu.memref_squeeze %dma_start3A_312 : memref<1x8x1024xf32, #tpu.memory_space<vmem>> -> memref<8x1024xf32, #tpu.memory_space<vmem>>
      tpu.enqueue_dma source(%dma_start3A_313 : memref<8x1024xf32, #tpu.memory_space<vmem>>) target(%dma_start3A_309 : memref<8x1024xf32, #tpu.memory_space<hbm>>) target_semaphore(%dma_start3A_306 : memref<!tpu.dma_semaphore, #tpu.memory_space<semaphore_mem>>)
      %mul3A_314 = arith.constant 8 : i32
      %mul3A_315 = arith.muli %add3A_225, %mul3A_314 : i32
      %add3A_316 = arith.addi %mul3A_2, %mul3A_315 : i32
      %dma_start3A_317 = arith.constant 3 : i32
      %dma_start3A_318 = arith.constant 24 : i32
      %dma_start3A_319 = arith.constant 0 : i32
      %dma_start3A_320 = tpu.memref_slice %arg7[%rem3A_253, %dma_start3A_318, %dma_start3A_319] : memref<3x40x1024xf32, #tpu.memory_space<vmem>> -> memref<1x8x1024xf32, #tpu.memory_space<vmem>>
      %dma_start3A_321 = tpu.memref_squeeze %dma_start3A_320 : memref<1x8x1024xf32, #tpu.memory_space<vmem>> -> memref<8x1024xf32, #tpu.memory_space<vmem>>
      %dma_start3A_322 = arith.constant 0 : i32
      %dma_start3A_323 = tpu.memref_slice %arg5[%add3A_316, %dma_start3A_317, %dma_start3A_322] : memref<8192x4x1024xf32, #tpu.memory_space<hbm>> -> memref<8x1x1024xf32, #tpu.memory_space<hbm>>
      %dma_start3A_324 = tpu.memref_squeeze %dma_start3A_323 : memref<8x1x1024xf32, #tpu.memory_space<hbm>> -> memref<8x1024xf32, #tpu.memory_space<hbm>>
      %dma_start3A_325 = tpu.memref_slice %arg9[%rem3A_253] : memref<3x!tpu.dma_semaphore, #tpu.memory_space<semaphore_mem>> -> memref<1x!tpu.dma_semaphore, #tpu.memory_space<semaphore_mem>>
      %dma_start3A_326 = tpu.memref_squeeze %dma_start3A_325 : memref<1x!tpu.dma_semaphore, #tpu.memory_space<semaphore_mem>> -> memref<!tpu.dma_semaphore, #tpu.memory_space<semaphore_mem>>
      %dma_start3A_327 = arith.constant 0 : i32
      %dma_start3A_328 = tpu.memref_slice %arg5[%add3A_316, %dma_start3A_317, %dma_start3A_327] : memref<8192x4x1024xf32, #tpu.memory_space<hbm>> -> memref<8x1x1024xf32, #tpu.memory_space<hbm>>
      %dma_start3A_329 = tpu.memref_squeeze %dma_start3A_328 : memref<8x1x1024xf32, #tpu.memory_space<hbm>> -> memref<8x1024xf32, #tpu.memory_space<hbm>>
      %dma_start3A_330 = arith.constant 24 : i32
      %dma_start3A_331 = arith.constant 0 : i32
      %dma_start3A_332 = tpu.memref_slice %arg7[%rem3A_253, %dma_start3A_330, %dma_start3A_331] : memref<3x40x1024xf32, #tpu.memory_space<vmem>> -> memref<1x8x1024xf32, #tpu.memory_space<vmem>>
      %dma_start3A_333 = tpu.memref_squeeze %dma_start3A_332 : memref<1x8x1024xf32, #tpu.memory_space<vmem>> -> memref<8x1024xf32, #tpu.memory_space<vmem>>
      tpu.enqueue_dma source(%dma_start3A_333 : memref<8x1024xf32, #tpu.memory_space<vmem>>) target(%dma_start3A_329 : memref<8x1024xf32, #tpu.memory_space<hbm>>) target_semaphore(%dma_start3A_326 : memref<!tpu.dma_semaphore, #tpu.memory_space<semaphore_mem>>)
      %add3A_334 = arith.constant 3 : i32
      %add3A_335 = arith.addi %add3A_225, %add3A_334 : i32
      %sub3A = arith.constant 1 : i32
      %sub3A_336 = arith.subi %add3A_335, %sub3A : i32
      %lt3A = arith.constant 32 : i32
      %lt3A_337 = arith.cmpi slt, %sub3A_336, %lt3A : i32
      %ge3A = arith.constant 1 : i32
      %ge3A_338 = arith.cmpi sge, %add3A_225, %ge3A : i32
      %and3A = arith.andi %lt3A_337, %ge3A_338 : i1
      %convert_element_type3A = arith.extui %and3A : i1 to i32
      %cond3A = arith.constant 0 : i32
      %cond3A_339 = arith.cmpi ne, %convert_element_type3A, %cond3A : i32
      scf.if %cond3A_339 {
        %sub3A_349 = arith.constant 1 : i32
        %sub3A_350 = arith.subi %add3A_225, %sub3A_349 : i32
        %rem3A_351 = arith.constant 3 : i32
        %rem3A_352 = arith.remsi %sub3A_350, %rem3A_351 : i32
        %mul3A_353 = arith.constant 8 : i32
        %mul3A_354 = arith.muli %sub3A_350, %mul3A_353 : i32
        %add3A_355 = arith.addi %mul3A_2, %mul3A_354 : i32
        %dma_wait3A_356 = arith.constant 0 : i32
        %dma_wait3A_357 = arith.constant 0 : i32
        %dma_wait3A_358 = tpu.memref_slice %arg7[%rem3A_352, %dma_wait3A_356, %dma_wait3A_357] : memref<3x40x1024xf32, #tpu.memory_space<vmem>> -> memref<1x32x1024xf32, #tpu.memory_space<vmem>>
        %dma_wait3A_359 = tpu.memref_squeeze %dma_wait3A_358 : memref<1x32x1024xf32, #tpu.memory_space<vmem>> -> memref<32x1024xf32, #tpu.memory_space<vmem>>
        %dma_wait3A_360 = arith.constant 0 : i32
        %dma_wait3A_361 = arith.constant 0 : i32
        %dma_wait3A_362 = tpu.memref_slice %arg5[%add3A_355, %dma_wait3A_360, %dma_wait3A_361] : memref<8192x4x1024xf32, #tpu.memory_space<hbm>> -> memref<8x4x1024xf32, #tpu.memory_space<hbm>>
        %dma_wait3A_363 = tpu.memref_slice %arg9[%rem3A_352] : memref<3x!tpu.dma_semaphore, #tpu.memory_space<semaphore_mem>> -> memref<1x!tpu.dma_semaphore, #tpu.memory_space<semaphore_mem>>
        %dma_wait3A_364 = tpu.memref_squeeze %dma_wait3A_363 : memref<1x!tpu.dma_semaphore, #tpu.memory_space<semaphore_mem>> -> memref<!tpu.dma_semaphore, #tpu.memory_space<semaphore_mem>>
        %dma_wait3A_365 = arith.constant 0 : i32
        %dma_wait3A_366 = arith.constant 0 : i32
        %dma_wait3A_367 = tpu.memref_slice %arg5[%add3A_355, %dma_wait3A_365, %dma_wait3A_366] : memref<8192x4x1024xf32, #tpu.memory_space<hbm>> -> memref<8x4x1024xf32, #tpu.memory_space<hbm>>
        %dma_wait3A_368 = arith.constant 0 : i32
        %dma_wait3A_369 = arith.constant 0 : i32
        %dma_wait3A_370 = tpu.memref_slice %arg7[%rem3A_352, %dma_wait3A_368, %dma_wait3A_369] : memref<3x40x1024xf32, #tpu.memory_space<vmem>> -> memref<1x32x1024xf32, #tpu.memory_space<vmem>>
        %dma_wait3A_371 = tpu.memref_squeeze %dma_wait3A_370 : memref<1x32x1024xf32, #tpu.memory_space<vmem>> -> memref<32x1024xf32, #tpu.memory_space<vmem>>
        tpu.wait_dma2 semaphore(%dma_wait3A_364 : memref<!tpu.dma_semaphore, #tpu.memory_space<semaphore_mem>>) src(%dma_wait3A_371 : memref<32x1024xf32, #tpu.memory_space<vmem>>) dst(%dma_wait3A_367 : memref<8x4x1024xf32, #tpu.memory_space<hbm>>)
      } else {
      }
      %add3A_340 = arith.constant 3 : i32
      %add3A_341 = arith.addi %add3A_225, %add3A_340 : i32
      %sub3A_342 = arith.constant 1 : i32
      %sub3A_343 = arith.subi %add3A_341, %sub3A_342 : i32
      %lt3A_344 = arith.constant 32 : i32
      %lt3A_345 = arith.cmpi slt, %sub3A_343, %lt3A_344 : i32
      %convert_element_type3A_346 = arith.extui %lt3A_345 : i1 to i32
      %cond3A_347 = arith.constant 0 : i32
      %cond3A_348 = arith.cmpi ne, %convert_element_type3A_346, %cond3A_347 : i32
      scf.if %cond3A_348 {
        %add3A_349 = arith.constant 3 : i32
        %add3A_350 = arith.addi %add3A_225, %add3A_349 : i32
        %sub3A_351 = arith.constant 1 : i32
        %sub3A_352 = arith.subi %add3A_350, %sub3A_351 : i32
        %rem3A_353 = arith.constant 3 : i32
        %rem3A_354 = arith.remsi %sub3A_352, %rem3A_353 : i32
        %mul3A_355 = arith.constant 8 : i32
        %mul3A_356 = arith.muli %sub3A_352, %mul3A_355 : i32
        %dma_start3A_357 = arith.constant 0 : i32
        %dma_start3A_358 = arith.constant 0 : i32
        %dma_start3A_359 = arith.constant 0 : i32
        %dma_start3A_360 = tpu.memref_slice %arg7[%rem3A_354, %dma_start3A_358, %dma_start3A_359] : memref<3x40x1024xf32, #tpu.memory_space<vmem>> -> memref<1x8x1024xf32, #tpu.memory_space<vmem>>
        %dma_start3A_361 = tpu.memref_squeeze %dma_start3A_360 : memref<1x8x1024xf32, #tpu.memory_space<vmem>> -> memref<8x1024xf32, #tpu.memory_space<vmem>>
        %dma_start3A_362 = tpu.memref_slice %arg6[%dma_start3A_357, %mul3A_356] : memref<4x256xi32, #tpu.memory_space<vmem>> -> memref<1x8xi32, #tpu.memory_space<vmem>>
        %dma_start3A_363 = tpu.memref_squeeze %dma_start3A_362 : memref<1x8xi32, #tpu.memory_space<vmem>> -> memref<8xi32, #tpu.memory_space<vmem>>
        %dma_start3A_364 = arith.constant 0 : i32
        %dma_start3A_365 = arith.constant 0 : i32
        %dma_start3A_366 = tpu.memref_slice %arg3[%dma_start3A_364, %dma_start3A_365] : memref<100000x1024xf32, #tpu.memory_space<hbm>> -> memref<100000x1024xf32, #tpu.memory_space<hbm>>
        %dma_start3A_367 = tpu.memref_slice %arg8[%rem3A_354] : memref<3x!tpu.dma_semaphore, #tpu.memory_space<semaphore_mem>> -> memref<1x!tpu.dma_semaphore, #tpu.memory_space<semaphore_mem>>
        %dma_start3A_368 = tpu.memref_squeeze %dma_start3A_367 : memref<1x!tpu.dma_semaphore, #tpu.memory_space<semaphore_mem>> -> memref<!tpu.dma_semaphore, #tpu.memory_space<semaphore_mem>>
        tpu.enqueue_indirect_dma source(%dma_start3A_366 : memref<100000x1024xf32, #tpu.memory_space<hbm>>) target(%dma_start3A_361 : memref<8x1024xf32, #tpu.memory_space<vmem>>) offsets(%dma_start3A_363 : memref<8xi32, #tpu.memory_space<vmem>>) semaphore(%dma_start3A_368 : memref<!tpu.dma_semaphore, #tpu.memory_space<semaphore_mem>>)
        %mul3A_369 = arith.constant 8 : i32
        %mul3A_370 = arith.muli %sub3A_352, %mul3A_369 : i32
        %dma_start3A_371 = arith.constant 1 : i32
        %dma_start3A_372 = arith.constant 8 : i32
        %dma_start3A_373 = arith.constant 0 : i32
        %dma_start3A_374 = tpu.memref_slice %arg7[%rem3A_354, %dma_start3A_372, %dma_start3A_373] : memref<3x40x1024xf32, #tpu.memory_space<vmem>> -> memref<1x8x1024xf32, #tpu.memory_space<vmem>>
        %dma_start3A_375 = tpu.memref_squeeze %dma_start3A_374 : memref<1x8x1024xf32, #tpu.memory_space<vmem>> -> memref<8x1024xf32, #tpu.memory_space<vmem>>
        %dma_start3A_376 = tpu.memref_slice %arg6[%dma_start3A_371, %mul3A_370] : memref<4x256xi32, #tpu.memory_space<vmem>> -> memref<1x8xi32, #tpu.memory_space<vmem>>
        %dma_start3A_377 = tpu.memref_squeeze %dma_start3A_376 : memref<1x8xi32, #tpu.memory_space<vmem>> -> memref<8xi32, #tpu.memory_space<vmem>>
        %dma_start3A_378 = arith.constant 0 : i32
        %dma_start3A_379 = arith.constant 0 : i32
        %dma_start3A_380 = tpu.memref_slice %arg3[%dma_start3A_378, %dma_start3A_379] : memref<100000x1024xf32, #tpu.memory_space<hbm>> -> memref<100000x1024xf32, #tpu.memory_space<hbm>>
        %dma_start3A_381 = tpu.memref_slice %arg8[%rem3A_354] : memref<3x!tpu.dma_semaphore, #tpu.memory_space<semaphore_mem>> -> memref<1x!tpu.dma_semaphore, #tpu.memory_space<semaphore_mem>>
        %dma_start3A_382 = tpu.memref_squeeze %dma_start3A_381 : memref<1x!tpu.dma_semaphore, #tpu.memory_space<semaphore_mem>> -> memref<!tpu.dma_semaphore, #tpu.memory_space<semaphore_mem>>
        tpu.enqueue_indirect_dma source(%dma_start3A_380 : memref<100000x1024xf32, #tpu.memory_space<hbm>>) target(%dma_start3A_375 : memref<8x1024xf32, #tpu.memory_space<vmem>>) offsets(%dma_start3A_377 : memref<8xi32, #tpu.memory_space<vmem>>) semaphore(%dma_start3A_382 : memref<!tpu.dma_semaphore, #tpu.memory_space<semaphore_mem>>)
        %mul3A_383 = arith.constant 8 : i32
        %mul3A_384 = arith.muli %sub3A_352, %mul3A_383 : i32
        %dma_start3A_385 = arith.constant 2 : i32
        %dma_start3A_386 = arith.constant 16 : i32
        %dma_start3A_387 = arith.constant 0 : i32
        %dma_start3A_388 = tpu.memref_slice %arg7[%rem3A_354, %dma_start3A_386, %dma_start3A_387] : memref<3x40x1024xf32, #tpu.memory_space<vmem>> -> memref<1x8x1024xf32, #tpu.memory_space<vmem>>
        %dma_start3A_389 = tpu.memref_squeeze %dma_start3A_388 : memref<1x8x1024xf32, #tpu.memory_space<vmem>> -> memref<8x1024xf32, #tpu.memory_space<vmem>>
        %dma_start3A_390 = tpu.memref_slice %arg6[%dma_start3A_385, %mul3A_384] : memref<4x256xi32, #tpu.memory_space<vmem>> -> memref<1x8xi32, #tpu.memory_space<vmem>>
        %dma_start3A_391 = tpu.memref_squeeze %dma_start3A_390 : memref<1x8xi32, #tpu.memory_space<vmem>> -> memref<8xi32, #tpu.memory_space<vmem>>
        %dma_start3A_392 = arith.constant 0 : i32
        %dma_start3A_393 = arith.constant 0 : i32
        %dma_start3A_394 = tpu.memref_slice %arg3[%dma_start3A_392, %dma_start3A_393] : memref<100000x1024xf32, #tpu.memory_space<hbm>> -> memref<100000x1024xf32, #tpu.memory_space<hbm>>
        %dma_start3A_395 = tpu.memref_slice %arg8[%rem3A_354] : memref<3x!tpu.dma_semaphore, #tpu.memory_space<semaphore_mem>> -> memref<1x!tpu.dma_semaphore, #tpu.memory_space<semaphore_mem>>
        %dma_start3A_396 = tpu.memref_squeeze %dma_start3A_395 : memref<1x!tpu.dma_semaphore, #tpu.memory_space<semaphore_mem>> -> memref<!tpu.dma_semaphore, #tpu.memory_space<semaphore_mem>>
        tpu.enqueue_indirect_dma source(%dma_start3A_394 : memref<100000x1024xf32, #tpu.memory_space<hbm>>) target(%dma_start3A_389 : memref<8x1024xf32, #tpu.memory_space<vmem>>) offsets(%dma_start3A_391 : memref<8xi32, #tpu.memory_space<vmem>>) semaphore(%dma_start3A_396 : memref<!tpu.dma_semaphore, #tpu.memory_space<semaphore_mem>>)
        %mul3A_397 = arith.constant 8 : i32
        %mul3A_398 = arith.muli %sub3A_352, %mul3A_397 : i32
        %dma_start3A_399 = arith.constant 3 : i32
        %dma_start3A_400 = arith.constant 24 : i32
        %dma_start3A_401 = arith.constant 0 : i32
        %dma_start3A_402 = tpu.memref_slice %arg7[%rem3A_354, %dma_start3A_400, %dma_start3A_401] : memref<3x40x1024xf32, #tpu.memory_space<vmem>> -> memref<1x8x1024xf32, #tpu.memory_space<vmem>>
        %dma_start3A_403 = tpu.memref_squeeze %dma_start3A_402 : memref<1x8x1024xf32, #tpu.memory_space<vmem>> -> memref<8x1024xf32, #tpu.memory_space<vmem>>
        %dma_start3A_404 = tpu.memref_slice %arg6[%dma_start3A_399, %mul3A_398] : memref<4x256xi32, #tpu.memory_space<vmem>> -> memref<1x8xi32, #tpu.memory_space<vmem>>
        %dma_start3A_405 = tpu.memref_squeeze %dma_start3A_404 : memref<1x8xi32, #tpu.memory_space<vmem>> -> memref<8xi32, #tpu.memory_space<vmem>>
        %dma_start3A_406 = arith.constant 0 : i32
        %dma_start3A_407 = arith.constant 0 : i32
        %dma_start3A_408 = tpu.memref_slice %arg3[%dma_start3A_406, %dma_start3A_407] : memref<100000x1024xf32, #tpu.memory_space<hbm>> -> memref<100000x1024xf32, #tpu.memory_space<hbm>>
        %dma_start3A_409 = tpu.memref_slice %arg8[%rem3A_354] : memref<3x!tpu.dma_semaphore, #tpu.memory_space<semaphore_mem>> -> memref<1x!tpu.dma_semaphore, #tpu.memory_space<semaphore_mem>>
        %dma_start3A_410 = tpu.memref_squeeze %dma_start3A_409 : memref<1x!tpu.dma_semaphore, #tpu.memory_space<semaphore_mem>> -> memref<!tpu.dma_semaphore, #tpu.memory_space<semaphore_mem>>
        tpu.enqueue_indirect_dma source(%dma_start3A_408 : memref<100000x1024xf32, #tpu.memory_space<hbm>>) target(%dma_start3A_403 : memref<8x1024xf32, #tpu.memory_space<vmem>>) offsets(%dma_start3A_405 : memref<8xi32, #tpu.memory_space<vmem>>) semaphore(%dma_start3A_410 : memref<!tpu.dma_semaphore, #tpu.memory_space<semaphore_mem>>)
        %mul3A_411 = arith.constant 8 : i32
        %mul3A_412 = arith.muli %sub3A_352, %mul3A_411 : i32
        %add3A_413 = arith.addi %mul3A_2, %mul3A_412 : i32
        %dma_start3A_414 = arith.constant 32 : i32
        %dma_start3A_415 = arith.constant 0 : i32
        %dma_start3A_416 = tpu.memref_slice %arg7[%rem3A_354, %dma_start3A_414, %dma_start3A_415] : memref<3x40x1024xf32, #tpu.memory_space<vmem>> -> memref<1x8x1024xf32, #tpu.memory_space<vmem>>
        %dma_start3A_417 = tpu.memref_squeeze %dma_start3A_416 : memref<1x8x1024xf32, #tpu.memory_space<vmem>> -> memref<8x1024xf32, #tpu.memory_space<vmem>>
        %dma_start3A_418 = arith.constant 0 : i32
        %dma_start3A_419 = tpu.memref_slice %arg4[%add3A_413, %dma_start3A_418] : memref<8192x1024xf32, #tpu.memory_space<hbm>> -> memref<8x1024xf32, #tpu.memory_space<hbm>>
        %dma_start3A_420 = tpu.memref_slice %arg8[%rem3A_354] : memref<3x!tpu.dma_semaphore, #tpu.memory_space<semaphore_mem>> -> memref<1x!tpu.dma_semaphore, #tpu.memory_space<semaphore_mem>>
        %dma_start3A_421 = tpu.memref_squeeze %dma_start3A_420 : memref<1x!tpu.dma_semaphore, #tpu.memory_space<semaphore_mem>> -> memref<!tpu.dma_semaphore, #tpu.memory_space<semaphore_mem>>
        %dma_start3A_422 = arith.constant 32 : i32
        %dma_start3A_423 = arith.constant 0 : i32
        %dma_start3A_424 = tpu.memref_slice %arg7[%rem3A_354, %dma_start3A_422, %dma_start3A_423] : memref<3x40x1024xf32, #tpu.memory_space<vmem>> -> memref<1x8x1024xf32, #tpu.memory_space<vmem>>
        %dma_start3A_425 = tpu.memref_squeeze %dma_start3A_424 : memref<1x8x1024xf32, #tpu.memory_space<vmem>> -> memref<8x1024xf32, #tpu.memory_space<vmem>>
        %dma_start3A_426 = arith.constant 0 : i32
        %dma_start3A_427 = tpu.memref_slice %arg4[%add3A_413, %dma_start3A_426] : memref<8192x1024xf32, #tpu.memory_space<hbm>> -> memref<8x1024xf32, #tpu.memory_space<hbm>>
        tpu.enqueue_dma source(%dma_start3A_427 : memref<8x1024xf32, #tpu.memory_space<hbm>>) target(%dma_start3A_425 : memref<8x1024xf32, #tpu.memory_space<vmem>>) target_semaphore(%dma_start3A_421 : memref<!tpu.dma_semaphore, #tpu.memory_space<semaphore_mem>>)
      } else {
      }
    }
    %scan3A_158 = arith.constant 32 : i32
    %rem3A_159 = arith.constant 29 : i32
    %rem3A_160 = arith.constant 3 : i32
    %rem3A_161 = arith.remsi %rem3A_159, %rem3A_160 : i32
    %add3A_162 = arith.constant 232 : i32
    %add3A_163 = arith.addi %mul3A_2, %add3A_162 : i32
    %dma_wait3A = arith.constant 0 : i32
    %dma_wait3A_164 = arith.constant 0 : i32
    %dma_wait3A_165 = tpu.memref_slice %arg7[%rem3A_161, %dma_wait3A, %dma_wait3A_164] : memref<3x40x1024xf32, #tpu.memory_space<vmem>> -> memref<1x32x1024xf32, #tpu.memory_space<vmem>>
    %dma_wait3A_166 = tpu.memref_squeeze %dma_wait3A_165 : memref<1x32x1024xf32, #tpu.memory_space<vmem>> -> memref<32x1024xf32, #tpu.memory_space<vmem>>
    %dma_wait3A_167 = arith.constant 0 : i32
    %dma_wait3A_168 = arith.constant 0 : i32
    %dma_wait3A_169 = tpu.memref_slice %arg5[%add3A_163, %dma_wait3A_167, %dma_wait3A_168] : memref<8192x4x1024xf32, #tpu.memory_space<hbm>> -> memref<8x4x1024xf32, #tpu.memory_space<hbm>>
    %dma_wait3A_170 = tpu.memref_slice %arg9[%rem3A_161] : memref<3x!tpu.dma_semaphore, #tpu.memory_space<semaphore_mem>> -> memref<1x!tpu.dma_semaphore, #tpu.memory_space<semaphore_mem>>
    %dma_wait3A_171 = tpu.memref_squeeze %dma_wait3A_170 : memref<1x!tpu.dma_semaphore, #tpu.memory_space<semaphore_mem>> -> memref<!tpu.dma_semaphore, #tpu.memory_space<semaphore_mem>>
    %dma_wait3A_172 = arith.constant 0 : i32
    %dma_wait3A_173 = arith.constant 0 : i32
    %dma_wait3A_174 = tpu.memref_slice %arg5[%add3A_163, %dma_wait3A_172, %dma_wait3A_173] : memref<8192x4x1024xf32, #tpu.memory_space<hbm>> -> memref<8x4x1024xf32, #tpu.memory_space<hbm>>
    %dma_wait3A_175 = arith.constant 0 : i32
    %dma_wait3A_176 = arith.constant 0 : i32
    %dma_wait3A_177 = tpu.memref_slice %arg7[%rem3A_161, %dma_wait3A_175, %dma_wait3A_176] : memref<3x40x1024xf32, #tpu.memory_space<vmem>> -> memref<1x32x1024xf32, #tpu.memory_space<vmem>>
    %dma_wait3A_178 = tpu.memref_squeeze %dma_wait3A_177 : memref<1x32x1024xf32, #tpu.memory_space<vmem>> -> memref<32x1024xf32, #tpu.memory_space<vmem>>
    tpu.wait_dma2 semaphore(%dma_wait3A_171 : memref<!tpu.dma_semaphore, #tpu.memory_space<semaphore_mem>>) src(%dma_wait3A_178 : memref<32x1024xf32, #tpu.memory_space<vmem>>) dst(%dma_wait3A_174 : memref<8x4x1024xf32, #tpu.memory_space<hbm>>)
    %rem3A_179 = arith.constant 30 : i32
    %rem3A_180 = arith.constant 3 : i32
    %rem3A_181 = arith.remsi %rem3A_179, %rem3A_180 : i32
    %add3A_182 = arith.constant 240 : i32
    %add3A_183 = arith.addi %mul3A_2, %add3A_182 : i32
    %dma_wait3A_184 = arith.constant 0 : i32
    %dma_wait3A_185 = arith.constant 0 : i32
    %dma_wait3A_186 = tpu.memref_slice %arg7[%rem3A_181, %dma_wait3A_184, %dma_wait3A_185] : memref<3x40x1024xf32, #tpu.memory_space<vmem>> -> memref<1x32x1024xf32, #tpu.memory_space<vmem>>
    %dma_wait3A_187 = tpu.memref_squeeze %dma_wait3A_186 : memref<1x32x1024xf32, #tpu.memory_space<vmem>> -> memref<32x1024xf32, #tpu.memory_space<vmem>>
    %dma_wait3A_188 = arith.constant 0 : i32
    %dma_wait3A_189 = arith.constant 0 : i32
    %dma_wait3A_190 = tpu.memref_slice %arg5[%add3A_183, %dma_wait3A_188, %dma_wait3A_189] : memref<8192x4x1024xf32, #tpu.memory_space<hbm>> -> memref<8x4x1024xf32, #tpu.memory_space<hbm>>
    %dma_wait3A_191 = tpu.memref_slice %arg9[%rem3A_181] : memref<3x!tpu.dma_semaphore, #tpu.memory_space<semaphore_mem>> -> memref<1x!tpu.dma_semaphore, #tpu.memory_space<semaphore_mem>>
    %dma_wait3A_192 = tpu.memref_squeeze %dma_wait3A_191 : memref<1x!tpu.dma_semaphore, #tpu.memory_space<semaphore_mem>> -> memref<!tpu.dma_semaphore, #tpu.memory_space<semaphore_mem>>
    %dma_wait3A_193 = arith.constant 0 : i32
    %dma_wait3A_194 = arith.constant 0 : i32
    %dma_wait3A_195 = tpu.memref_slice %arg5[%add3A_183, %dma_wait3A_193, %dma_wait3A_194] : memref<8192x4x1024xf32, #tpu.memory_space<hbm>> -> memref<8x4x1024xf32, #tpu.memory_space<hbm>>
    %dma_wait3A_196 = arith.constant 0 : i32
    %dma_wait3A_197 = arith.constant 0 : i32
    %dma_wait3A_198 = tpu.memref_slice %arg7[%rem3A_181, %dma_wait3A_196, %dma_wait3A_197] : memref<3x40x1024xf32, #tpu.memory_space<vmem>> -> memref<1x32x1024xf32, #tpu.memory_space<vmem>>
    %dma_wait3A_199 = tpu.memref_squeeze %dma_wait3A_198 : memref<1x32x1024xf32, #tpu.memory_space<vmem>> -> memref<32x1024xf32, #tpu.memory_space<vmem>>
    tpu.wait_dma2 semaphore(%dma_wait3A_192 : memref<!tpu.dma_semaphore, #tpu.memory_space<semaphore_mem>>) src(%dma_wait3A_199 : memref<32x1024xf32, #tpu.memory_space<vmem>>) dst(%dma_wait3A_195 : memref<8x4x1024xf32, #tpu.memory_space<hbm>>)
    %rem3A_200 = arith.constant 31 : i32
    %rem3A_201 = arith.constant 3 : i32
    %rem3A_202 = arith.remsi %rem3A_200, %rem3A_201 : i32
    %add3A_203 = arith.constant 248 : i32
    %add3A_204 = arith.addi %mul3A_2, %add3A_203 : i32
    %dma_wait3A_205 = arith.constant 0 : i32
    %dma_wait3A_206 = arith.constant 0 : i32
    %dma_wait3A_207 = tpu.memref_slice %arg7[%rem3A_202, %dma_wait3A_205, %dma_wait3A_206] : memref<3x40x1024xf32, #tpu.memory_space<vmem>> -> memref<1x32x1024xf32, #tpu.memory_space<vmem>>
    %dma_wait3A_208 = tpu.memref_squeeze %dma_wait3A_207 : memref<1x32x1024xf32, #tpu.memory_space<vmem>> -> memref<32x1024xf32, #tpu.memory_space<vmem>>
    %dma_wait3A_209 = arith.constant 0 : i32
    %dma_wait3A_210 = arith.constant 0 : i32
    %dma_wait3A_211 = tpu.memref_slice %arg5[%add3A_204, %dma_wait3A_209, %dma_wait3A_210] : memref<8192x4x1024xf32, #tpu.memory_space<hbm>> -> memref<8x4x1024xf32, #tpu.memory_space<hbm>>
    %dma_wait3A_212 = tpu.memref_slice %arg9[%rem3A_202] : memref<3x!tpu.dma_semaphore, #tpu.memory_space<semaphore_mem>> -> memref<1x!tpu.dma_semaphore, #tpu.memory_space<semaphore_mem>>
    %dma_wait3A_213 = tpu.memref_squeeze %dma_wait3A_212 : memref<1x!tpu.dma_semaphore, #tpu.memory_space<semaphore_mem>> -> memref<!tpu.dma_semaphore, #tpu.memory_space<semaphore_mem>>
    %dma_wait3A_214 = arith.constant 0 : i32
    %dma_wait3A_215 = arith.constant 0 : i32
    %dma_wait3A_216 = tpu.memref_slice %arg5[%add3A_204, %dma_wait3A_214, %dma_wait3A_215] : memref<8192x4x1024xf32, #tpu.memory_space<hbm>> -> memref<8x4x1024xf32, #tpu.memory_space<hbm>>
    %dma_wait3A_217 = arith.constant 0 : i32
    %dma_wait3A_218 = arith.constant 0 : i32
    %dma_wait3A_219 = tpu.memref_slice %arg7[%rem3A_202, %dma_wait3A_217, %dma_wait3A_218] : memref<3x40x1024xf32, #tpu.memory_space<vmem>> -> memref<1x32x1024xf32, #tpu.memory_space<vmem>>
    %dma_wait3A_220 = tpu.memref_squeeze %dma_wait3A_219 : memref<1x32x1024xf32, #tpu.memory_space<vmem>> -> memref<32x1024xf32, #tpu.memory_space<vmem>>
    tpu.wait_dma2 semaphore(%dma_wait3A_213 : memref<!tpu.dma_semaphore, #tpu.memory_space<semaphore_mem>>) src(%dma_wait3A_220 : memref<32x1024xf32, #tpu.memory_space<vmem>>) dst(%dma_wait3A_216 : memref<8x4x1024xf32, #tpu.memory_space<hbm>>)
    return
  }
}

</mosaic_0001>

<sc_bundles>
// kernel: kernel.3.cloned.1.call-start
scs
__scs_entry_jumppad:
0x0: {  	(pc) =	sbr.rel $0x88, $3  }
0x1: {  	(tag) =	ssettag $0x0;
	lr =	simm.s32 $0x1  }
0x2: {  	[smem:$0x3F9E] =	sst lr;
	_ =	strace $0xD0000000  }
0x3: {  	_ = 	snop  }
0x4: {  	_ = 	snop  }
0x5: {  	_ = 	snop  }
0x6: {  	_ = 	snop  }
0x7: {  	_ = 	snop  }
__scs_overlays_trampoline_lowered:
0x8: {  	[smem:$0x3FAD] =	sst s0  }
0x9: {  	[smem:$0x3FAE] =	sst s1  }
0xa: {  	[smem:$0x3FAF] =	sst s2  }
0xb: {  	[smem:$0x3FB0] =	sst s3  }
0xc: {  	[smem:$0x3FB1] =	sst s4  }
0xd: {  	[smem:$0x3FB2] =	sst s5  }
0xe: {  	[smem:$0x3FB3] =	sst s6  }
0xf: {  	[smem:$0x3FB4] =	sst s7  }
0x10: {  	[smem:$0x3FB5] =	sst s8  }
0x11: {  	[smem:$0x3FB6] =	sst s9;
	s0 =	simm.s32 @!p0 $0x0  }
0x12: {  	s1 =	sld [smem:$0x3F9C];
	s0 =	simm.s32 @p0 $0x1  }
0x13: {  	[smem:$0x3FB7] =	sst s0;
	s0 =	simm.s32 @!p1 $0x0  }
0x14: {  	s2 =	sld [smem:$0x3F9B];
	s0 =	simm.s32 @p1 $0x1  }
0x15: {  	[smem:$0x3FB8] =	sst s0;
	s0 =	simm.s32 @!p2 $0x0  }
0x16: {  	s3 =	sld [smem:$0x3FDB];
	s0 =	simm.s32 @p2 $0x1  }
0x17: {  	s4 =	simm.s32 $0x1BF5;
	[smem:$0x3FBA] =	sst s0  }
0x18: {  	s0 =	sld [smem:$0x3F9D];
	_ =	swait.ge [sflag:s4], $0x0  }
0x19: {  	s7 =	sld [smem:$0x3F9E]  }
0x1a: {  	s8 =	sadd.s32 $0xFFFFE003, lr  }
0x1b: {  	s9 =	sadd.s32 $0xFFFFFEF7, lr;
	s5 =	simm.s32 $0xFFFFFFFF;
	p2 =	slt.u32 s8, $0xFFFFF086  }
0x1c: {  	p1 =	slt.u32 s9, $0xF7A;
	s5 =	simm.s32 @!p2 $0x0  }
0x1d: {  	s5 =	simm.s32 @p1 $0x1;
	p0 =	seq.s32 s7, s2  }
0x1e: {  	s7 =	smul.u32 @!p0 $0xF7A, s2;
	p2 =	seq.s32 @!p0 s5, $0x0  }
0x1f: {  	s9 =	smul.u32 $0xF7A, s1;
	s8 =	simm.s32 @!p0 $0x1BF5;
	p2 =	por !p2, p0  }
0x20: {  	[sflag:s8] =	ssyncset.s32 @!p0 $0xFFFFF086;
	s6 =	sadd.s32 @!p0 s3, s7;
	s7 =	simm.s32 @!p0 $0x108  }
0x21: {  	s3 =	sadd.s32 s3, s9;
	s6 =	sadd.s32 @!p0 $0x88, s6;
	s7 =	simm.s32 @p2 $0x1082  }
0x22: {  	[simem:s7], [sflag:s8] =	dma.local @!p0 [hbm:s6], $0xF7A  }
0x23: {  	s9 =	sor.u32 $0xD0000000, s2;
	s6 =	simm.s32 $0x108;
	_ =	swait.ge @!p0 [sflag:s8], $0x0  }
0x24: {  	s3 =	sadd.s32 $0x88, s3;
	s6 =	simm.s32 @!p1 $0x1082;
	[sflag:s4] =	ssyncset.s32 $0xFFFFF086  }
0x25: {  	[simem:s6], [sflag:s4] =	dma.local [hbm:s3], $0xF7A  }
0x26: {  	[smem:$0x3F9E] =	sst s1;
	(tag) =	ssettag s2;
	_ =	strace s9  }
0x27: {  	s1 =	sld [smem:$0x3FAE]  }
0x28: {  	s2 =	sld [smem:$0x3FAF]  }
0x29: {  	s4 =	sld [smem:$0x3FB1]  }
0x2a: {  	p0 =	seq.s32 s5, $0x0;
	s5 =	sld [smem:$0x3FB2]  }
0x2b: {  	s6 =	sld [smem:$0x3FB3]  }
0x2c: {  	s7 =	sld [smem:$0x3FB4]  }
0x2d: {  	s3 =	simm.s32 $0x108;
	s8 =	sld [smem:$0x3FB5]  }
0x2e: {  	s3 =	simm.s32 @!p0 $0x1082;
	s9 =	sld [smem:$0x3FB6]  }
0x2f: {  	lr =	sadd.s32 s0, s3;
	s0 =	sld [smem:$0x3FAD]  }
0x30: {  	s3 =	sld [smem:$0x3FB0]  }
0x31: {  	[smem:$0x3FB9] =	sst s10  }
0x32: {  	s10 =	sld [smem:$0x3FB7];
	_ =	sdelay $0x3  }
0x33: {  	p0 =	seq.s32 s10, $0x1;
	s10 =	sld [smem:$0x3FB9];
	_ =	sdelay $0x3  }
0x34: {  	[smem:$0x3FB9] =	sst s10  }
0x35: {  	s10 =	sld [smem:$0x3FB8];
	_ =	sdelay $0x3  }
0x36: {  	p1 =	seq.s32 s10, $0x1;
	s10 =	sld [smem:$0x3FB9];
	_ =	sdelay $0x3  }
0x37: {  	[smem:$0x3FB9] =	sst s10  }
0x38: {  	s10 =	sld [smem:$0x3FBA]  }
0x39: {  	_ = 	snop;
	(pc) =	sbr.ind lr, $3  }
0x3a: {  	_ = 	snop  }
0x3b: {  	_ = 	snop  }
0x3c: {  	p2 =	seq.s32 s10, $0x1;
	s10 =	sld [smem:$0x3FB9]  }
0x3d: {  	_ =	shalt  }
0x3e: {  	_ =	shalt  }
0x3f: {  	_ =	shalt  }
0x40: {  	_ =	shalt  }
0x41: {  	_ =	shalt  }
0x42: {  	_ =	shalt  }
0x43: {  	_ =	shalt  }
0x44: {  	_ =	shalt  }
0x45: {  	_ =	shalt  }
0x46: {  	_ =	shalt  }
0x47: {  	_ =	shalt  }
0x48: {  	_ =	shalt  }
0x49: {  	_ =	shalt  }
0x4a: {  	_ =	shalt  }
0x4b: {  	_ =	shalt  }
0x4c: {  	_ =	shalt  }
0x4d: {  	_ =	shalt  }
0x4e: {  	_ =	shalt  }
0x4f: {  	_ =	shalt  }
0x50: {  	_ =	shalt  }
0x51: {  	_ =	shalt  }
0x52: {  	_ =	shalt  }
0x53: {  	_ =	shalt  }
0x54: {  	_ =	shalt  }
0x55: {  	_ =	shalt  }
0x56: {  	_ =	shalt  }
0x57: {  	_ =	shalt  }
0x58: {  	_ =	shalt  }
0x59: {  	_ =	shalt  }
0x5a: {  	_ =	shalt  }
0x5b: {  	_ =	shalt  }
0x5c: {  	_ =	shalt  }
0x5d: {  	_ =	shalt  }
0x5e: {  	_ =	shalt  }
0x5f: {  	_ =	shalt  }
0x60: {  	_ =	shalt  }
0x61: {  	_ =	shalt  }
0x62: {  	_ =	shalt  }
0x63: {  	_ =	shalt  }
0x64: {  	_ =	shalt  }
0x65: {  	_ =	shalt  }
0x66: {  	_ =	shalt  }
0x67: {  	_ =	shalt  }
0x68: {  	_ =	shalt  }
0x69: {  	_ =	shalt  }
0x6a: {  	_ =	shalt  }
0x6b: {  	_ =	shalt  }
0x6c: {  	_ =	shalt  }
0x6d: {  	_ =	shalt  }
0x6e: {  	_ =	shalt  }
0x6f: {  	_ =	shalt  }
0x70: {  	_ =	shalt  }
0x71: {  	_ =	shalt  }
0x72: {  	_ =	shalt  }
0x73: {  	_ =	shalt  }
0x74: {  	_ =	shalt  }
0x75: {  	_ =	shalt  }
0x76: {  	_ =	shalt  }
0x77: {  	_ =	shalt  }
0x78: {  	_ =	shalt  }
0x79: {  	_ =	shalt  }
0x7a: {  	_ =	shalt  }
0x7b: {  	_ =	shalt  }
0x7c: {  	_ =	shalt  }
0x7d: {  	_ =	shalt  }
0x7e: {  	_ =	shalt  }
0x7f: {  	_ =	shalt  }
0x80: {  	_ =	shalt  }
0x81: {  	_ =	shalt  }
0x82: {  	_ =	shalt  }
0x83: {  	_ =	shalt  }
0x84: {  	_ =	shalt  }
0x85: {  	_ =	shalt  }
0x86: {  	_ =	shalt  }
0x87: {  	_ =	shalt  }
.Lfunc_end0:
.L_simem_size_0:
called_computation_lowered:
.L_overlay_start_0:
0x88: {  	s2 =	sld [smem:$0x3FD9]  }
0x89: {  	s3 =	sld [smem:$0x3FFE];
	_ =	sdelay $0x1  }
0x8a: {  	s1 =	srdreg.scid  }
0x8b: {  	s0 =	sand.u32 $0x1, s1  }
0x8c: {  	s14 =	sshll.u32 s0, $0xA;
	s2 =	sadd.s32 s3, s2  }
0x8d: {  	s2 =	sadd.s32 s2, s14  }
0x8e: {  	[smem:$0x3FC5] =	sst s2  }
0x8f: {  	_ = 	snop  }
0x90: {  	s2 =	sld [smem:$0x3FD0];
	_ =	sdelay $0x1  }
0x91: {  	s15 =	sld [smem:$0x3FC8]  }
0x92: {  	s5 =	simm.s32 $0xA;
	s6 =	simm.s32 $0x10;
	s4 =	sld [smem:$0x3FC7]  }
0x93: {  	[smem:s6], [sflag:s5] =	dma.local [hbm:s2], $0x1  }
0x94: {  	_ =	swait.eq [sflag:s5], $0x1  }
0x95: {  	[sflag:s5] =	ssyncset.done $0x0  }
0x96: {  	[sflag:s5] =	ssyncadd.s32 $0xFFFFFFFF  }
0x97: {  	s16 =	sld [smem:$0x10];
	(tm) =	ssettm $0x1  }
0x98: {  	s17 =	sld [smem:$0x3FFB];
	_ =	sdelay $0x3  }
0x99: {  	_ =	strace s17  }
0x9a: {  	s5 =	sld [smem:$0x3FFC];
	_ =	sdelay $0x3  }
0x9b: {  	_ =	strace s5  }
0x9c: {  	s5 =	sld [smem:$0x3FFD];
	_ =	sdelay $0x3  }
0x9d: {  	_ =	strace s5  }
0x9e: {  	_ =	strace $0x8FFFFFFF  }
0x9f: {  	s18 =	sld [smem:$0x3FDB];
	_ =	sdelay $0x1  }
0xa0: {  	s19 =	simm.s32 $_scs_section_size  }
0xa1: {  	s7 =	simm.s32 $_size__tile_overlayer_lowered;
	s8 =	simm.s32 $_tile_overlayer_lowered  }
0xa2: {  	s22 =	simm.s32 $0x1BFF;
	s21 =	sshll.u32 s8, $0x1;
	s5 =	sadd.s32 s19, s18  }
0xa3: {  	s9 =	simm.s32 $0x0;
	s20 =	sshll.u32 s7, $0x1;
	s7 =	sadd.s32 s21, s5  }
0xa4: {  	[timem:s9], [sflag:s22] =	dma.local [hbm:s7], s20  }
0xa5: {  	_ =	swait.ge [sflag:s22], s20  }
0xa6: {  	s6 =	ssub.s32 $0x0, s20;
	[sflag:s22] =	ssyncset.done $0x0  }
0xa7: {  	[sflag:s22] =	ssyncadd.s32 s6;
	_ =	sdelay $0x1  }
0xa8: {  	s23 =	simm.s32 $0x1B8B  }
0xa9: {  	_ =	swait.ge [sflag:s23], $0x1  }
0xaa: {  	[sflag:s23] =	ssyncset.done $0x0  }
0xab: {  	s25 =	simm.s32 $0x1B8E;
	s24 =	sld [smem:$0x3FFE];
	[sflag:s23] =	ssyncadd.s32 $0xFFFFFFFF  }
0xac: {  	s26 =	simm.s32 $execute0_lowered;
	[smem:$0x3FD2] =	sst s25  }
0xad: {  	s7 =	sshll.u32 s26, $0x1;
	_ =	strace $0x80000046;
	[dreg:$0x1] =	wrdreg $0xFFFFFFFF  }
0xae: {  	s28 =	simm.s32 $_size_execute0_lowered;
	s5 =	sadd.s32 s5, s7;
	[dreg:$0x0] =	wrdreg $0x0  }
0xaf: {  	s7 =	sshll.u32 s28, $0x1;
	[dreg:$0x2] =	wrdreg s5  }
0xb0: {  	[dreg:$0x3] =	wrdreg s7  }
0xb1: {  	[dreg:$0x4] =	wrdreg $0xC0  }
0xb2: {  	_ =	task [dreg:s9], $0x5FFFF  }
0xb3: {  	[dreg:$0x1] =	wrdreg $0xFFFFFFFF  }
0xb4: {  	[dreg:$0x0] =	wrdreg $0x60  }
0xb5: {  	[dreg:$0x2] =	wrdreg s24  }
0xb6: {  	[dreg:$0x3] =	wrdreg s15  }
0xb7: {  	[dreg:$0x4] =	wrdreg s4  }
0xb8: {  	[dreg:$0x5] =	wrdreg s16  }
0xb9: {  	[dreg:$0x6] =	wrdreg $0x9  }
0xba: {  	_ =	task.clear_ibuf [dreg:s9], $0x7FFFF;
	_ =	strace $0x90000046  }
0xbb: {  	s29 =	simm.s32 $0x9;
	_ =	strace $0x80000048  }
0xbc: {  	_ =	swait.ge [sflag:s29], $0x1  }
0xbd: {  	[sflag:s29] =	ssyncadd.s32 $0xFFFFFFFF  }
0xbe: {  	_ =	strace $0x90000048  }
0xbf: {  	_ =	sfence  }
0xc0: {  	s30 =	sld [smem:$0x0];
	_ =	sdelay $0x2  }
0xc1: {  	s31 =	sshll.u32 s1, $0xD;
	s1 =	sshrl.u32 s1, $0x2  }
0xc2: {  	s3 =	sand.u32 $0x4000, s31;
	s1 =	sadd.s32 s1, s30  }
0xc3: {  	s0 =	sor.u32 s3, s0;
	s1 =	sshll.u32 s1, $0x11  }
0xc4: {  	s0 =	sor.u32 s1, s0  }
0xc5: {  	s0 =	sadd.s32 $0x8F2B, s0  }
0xc6: {  	[sflag:s0] =	ssyncadd.remote.s32 $0x1  }
0xc7: {  	_ =	sfence.sel $0xFFFF  }
0xc8: {  	[dreg:$0x0] =	wrdreg $0xFFFFFFFF;
	(pc) =	sbr.abs _section_cstart, $3  }
0xc9: {  	[dreg:$0x1] =	wrdreg $0xFFFFFFFF  }
0xca: {  	_ =	task.clear_ibuf [dreg:s9], $0x2FFFF;
	_ =	strace $0x9FFFFFFF  }
0xcb: {  	(tm) =	ssettm $0x7FFFFFFF  }
tec
execute0_lowered:
.L_overlay_start_1:
0x0: {  	(tag) =	ssettag $0x1  }
0x1: {  	s0 =	rddreg [dreg:$0x0]  }
0x2: {  	s1 =	rddreg [dreg:$0x1]  }
0x3: {  	s2 =	srdreg.scid;
	s3 =	rddreg [dreg:$0x2]  }
0x4: {  	s5 =	stileid.u32;
	s4 =	rddreg [dreg:$0x3];
	s23 =	simm.s32 $0x7  }
0x5: {  	s22 =	simm.s32 $0x1000;
	s28 =	simm.s32 $0x4;
	s29 =	simm.s32 $0x5  }
0x6: {  	s30 =	simm.s32 $0x0;
	s2 =	sand.u32 $0x1, s2;
	s5 =	sshll.u32 s5, $0x9  }
0x7: {  	s11 =	sadd.s32 $0x100, s1;
	s13 =	sadd.s32 $0x200, s1;
	s6 =	sshll.u32 s2, $0x8  }
0x8: {  	s14 =	sadd.s32 $0x300, s1;
	s2 =	ssub.s32 $0x2, s2;
	s5 =	sor.u32 s6, s5  }
0x9: {  	s6 =	simm.s32 $0x0;
	s24 =	sshrl.u32 s2, $0x1;
	s7 =	sshrl.u32 s5, $0x3  }
0xa: {  	[smem:$0x7FF] =	sst s6;
	s2 =	ssub.s32 s2, s24;
	s26 =	sshll.u32 s5, $0x7  }
0xb: {  	s0 =	sadd.s32 s7, s0;
	_ =	strace $0x80000047;
	s7 =	sadd.s32 s3, s26  }
0xc: {  	s2 =	smax.u32 s2, $0x1;
	s25 =	sadd.s32 $0x400, s0;
	[dreg:$0x7] =	wrdreg s7  }
0xd: {  	s8 =	sadd.s32 $0x800, s0;
	s9 =	sadd.s32 $0xC00, s0;
	[dreg:$0x9] =	wrdreg s2  }
.Ltmp0:
0xe: {  	s7 =	sadd.s32 $0x400, s7;
	[dreg:$0x5] =	wrdreg s25;
	(pc) =	sbr.rel .LBB2_1-.Ltmp0, $4  }
0xf: {  	s10 =	sadd.s32 $0x1000, s0;
	s0 =	sadd.s32 $0x410, s0;
	[dreg:$0x8] =	wrdreg s7  }
0x10: {  	v0 =	vlaneseq.u32;
	s17 =	sadd.s32 $0x10, s4;
	s18 =	sadd.s32 $0x20, s4;
	[dreg:$0xa] =	wrdreg s0  }
0x11: {  	s19 =	sadd.s32 $0x30, s4;
	v1 =	vshrl.u32 v0, $0x3;
	[dreg:$0x6] =	wrdreg s8;
	s31 =	sadd.s32 $0x10, s8  }
0x12: {  	vm0 =	vmmov $0xffff;
	v0 =	vand.u32 $0x7, v0;
	v1 =	vmul.u32 $0x8, v1;
	s16 =	sshll.u32 s5, $0x9;
	s24 =	simm.s32 $0x80;
	[dreg:$0xb] =	wrdreg s31  }
.LBB2_9:
0x13: {  	s0 =	simm.s32 $0x6  }
0x14: {  	_ =	swait.ge [sflag:s0], $0x8000  }
0x15: {  	[sflag:s0] =	ssyncset.done $0x0  }
0x16: {  	[sflag:s0] =	ssyncadd.s32 $0xFFFF8000  }
0x17: {  	_ =	swait.ge [sflag:s28], $0x8000  }
0x18: {  	[sflag:s28] =	ssyncset.done $0x0  }
0x19: {  	[sflag:s28] =	ssyncadd.s32 $0xFFFF8000  }
0x1a: {  	_ =	swait.ge [sflag:s29], $0x8000  }
0x1b: {  	s30 =	sadd.s32 $0x1, s30;
	s31 =	rddreg [dreg:$0x9]  }
0x1c: {  	p0 =	sne.s32 s30, s31  }
.Ltmp1:
0x1d: {  	_ = 	snop;
	(pc) =	sbr.rel @!p0 .LBB2_10-.Ltmp1, $3  }
0x1e: {  	_ =	sdelay $0x1  }
0x1f: {  	[sflag:s29] =	ssyncset.done $0x0  }
0x20: {  	[sflag:s29] =	ssyncadd.s32 $0xFFFF8000  }
.LBB2_1:
0x21: {  	s0 =	rddreg [dreg:$0x5]  }
0x22: {  	[tilespmem:s6], [sflag:$0x7] =	stream.linear.gather [hbm4b:s0+s6], $0x80, $0x38;
	[tilespmem:$0x1E400] =	vst v63  }
0x23: {  	s26 =	rddreg [dreg:$0xa];
	s2 =	simm.s32 $0x200  }
0x24: {  	[tilespmem:s2], [sflag:$0x7] =	stream.linear.gather [hbm4b:s26+s6], $0x80, $0x38;
	[tilespmem:$0x1E400] =	vst v63  }
0x25: {  	_ =	swait.ge [sflag:s23], $0x100  }
0x26: {  	[sflag:s23] =	ssyncset.done $0x0  }
0x27: {  	s2 =	rddreg [dreg:$0x6];
	[sflag:s23] =	ssyncadd.s32 $0xFFFFFF00  }
0x28: {  	[tilespmem:s24], [sflag:$0x7] =	stream.linear.gather [hbm4b:s2+s6], $0x80, $0x38;
	[tilespmem:$0x1E400] =	vst v63  }
0x29: {  	s8 =	simm.s32 $0x280;
	s7 =	rddreg [dreg:$0xb]  }
0x2a: {  	[tilespmem:s8], [sflag:$0x7] =	stream.linear.gather [hbm4b:s7+s6], $0x80, $0x38;
	[tilespmem:$0x1E400] =	vst v63  }
0x2b: {  	_ =	swait.ge [sflag:s23], $0x100  }
0x2c: {  	[sflag:s23] =	ssyncset.done $0x0  }
0x2d: {  	s12 =	simm.s32 $0x100;
	[sflag:s23] =	ssyncadd.s32 $0xFFFFFF00  }
0x2e: {  	[tilespmem:s12], [sflag:$0x7] =	stream.linear.gather [hbm4b:s9+s6], $0x80, $0x38;
	[tilespmem:$0x1E400] =	vst v63  }
0x2f: {  	s15 =	sadd.s32 $0x10, s9;
	s20 =	simm.s32 $0x300  }
0x30: {  	[tilespmem:s20], [sflag:$0x7] =	stream.linear.gather [hbm4b:s15+s6], $0x80, $0x38;
	[tilespmem:$0x1E400] =	vst v63  }
0x31: {  	_ =	swait.ge [sflag:s23], $0x100  }
0x32: {  	[sflag:s23] =	ssyncset.done $0x0  }
0x33: {  	s21 =	simm.s32 $0x180;
	[sflag:s23] =	ssyncadd.s32 $0xFFFFFF00  }
0x34: {  	[tilespmem:s21], [sflag:$0x7] =	stream.linear.gather [hbm4b:s10+s6], $0x80, $0x38;
	[tilespmem:$0x1E400] =	vst v63  }
0x35: {  	s25 =	sadd.s32 $0x10, s10;
	s26 =	simm.s32 $0x380  }
0x36: {  	[tilespmem:s26], [sflag:$0x7] =	stream.linear.gather [hbm4b:s25+s6], $0x80, $0x38;
	[tilespmem:$0x1E400] =	vst v63  }
0x37: {  	_ =	swait.ge [sflag:s23], $0x100  }
0x38: {  	[sflag:s23] =	ssyncset.done $0x0  }
0x39: {  	[sflag:s23] =	ssyncadd.s32 $0xFFFFFF00  }
0x3a: {  	v2 =	vld.msk [tilespmem:$0x0], $0xff;
	_ =	sdelay $0x4  }
0x3b: {  	v3 =	vshll.u32 v2, $0x3  }
0x3c: {  	v2 =	vand.u32 $0x7, v2;
	v3 =	vand.u32 $0xFFFFFFC0, v3  }
0x3d: {  	v2 =	vor.u32 v2, v3  }
0x3e: {  	v2 =	vperm.xlane v2, v0;
	_ =	sdelay $0x1  }
0x3f: {  	v2 =	vadd.s32 v1, v2;
	_ =	sdelay $0x3  }
0x40: {  	s2 =	simm.s32 $0x400  }
0x41: {  	[tilespmem:s2], [sflag:$0x1] =	stream.indirect_vreg.gather [hbm4b:s1+s6], $0x80, v2, vm0, $0xb8;
	[tilespmem:$0x1E400] =	vst v63  }
0x42: {  	s7 =	simm.s32 $0xC00  }
0x43: {  	[tilespmem:s7], [sflag:$0x1] =	stream.indirect_vreg.gather [hbm4b:s11+s6], $0x80, v2, vm0, $0xb8;
	[tilespmem:$0x1E400] =	vst v63  }
0x44: {  	s8 =	simm.s32 $0x1400  }
0x45: {  	[tilespmem:s8], [sflag:$0x1] =	stream.indirect_vreg.gather [hbm4b:s13+s6], $0x80, v2, vm0, $0xb8;
	[tilespmem:$0x1E400] =	vst v63  }
0x46: {  	s12 =	simm.s32 $0x1C00  }
0x47: {  	[tilespmem:s12], [sflag:$0x1] =	stream.indirect_vreg.gather [hbm4b:s14+s6], $0x80, v2, vm0, $0xb8;
	[tilespmem:$0x1E400] =	vst v63  }
0x48: {  	v2 =	vld.msk [tilespmem:$0x80], $0xff;
	_ =	sdelay $0x4  }
0x49: {  	v3 =	vshll.u32 v2, $0x3  }
0x4a: {  	v2 =	vand.u32 $0x7, v2;
	v3 =	vand.u32 $0xFFFFFFC0, v3  }
0x4b: {  	v2 =	vor.u32 v2, v3  }
0x4c: {  	v2 =	vperm.xlane v2, v0;
	_ =	sdelay $0x1  }
0x4d: {  	v2 =	vadd.s32 v1, v2;
	_ =	sdelay $0x3  }
0x4e: {  	s15 =	simm.s32 $0x2400  }
0x4f: {  	[tilespmem:s15], [sflag:$0x1] =	stream.indirect_vreg.gather [hbm4b:s1+s6], $0x80, v2, vm0, $0xb8;
	[tilespmem:$0x1E400] =	vst v63  }
0x50: {  	s20 =	simm.s32 $0x2C00  }
0x51: {  	[tilespmem:s20], [sflag:$0x1] =	stream.indirect_vreg.gather [hbm4b:s11+s6], $0x80, v2, vm0, $0xb8;
	[tilespmem:$0x1E400] =	vst v63  }
0x52: {  	s21 =	simm.s32 $0x3400  }
0x53: {  	[tilespmem:s21], [sflag:$0x1] =	stream.indirect_vreg.gather [hbm4b:s13+s6], $0x80, v2, vm0, $0xb8;
	[tilespmem:$0x1E400] =	vst v63  }
0x54: {  	s25 =	simm.s32 $0x3C00  }
0x55: {  	[tilespmem:s25], [sflag:$0x1] =	stream.indirect_vreg.gather [hbm4b:s14+s6], $0x80, v2, vm0, $0xb8;
	[tilespmem:$0x1E400] =	vst v63  }
0x56: {  	v2 =	vld.msk [tilespmem:$0x100], $0xff;
	_ =	sdelay $0x4  }
0x57: {  	v3 =	vshll.u32 v2, $0x3  }
0x58: {  	v2 =	vand.u32 $0x7, v2;
	v3 =	vand.u32 $0xFFFFFFC0, v3  }
0x59: {  	v2 =	vor.u32 v2, v3  }
0x5a: {  	v2 =	vperm.xlane v2, v0;
	_ =	sdelay $0x1  }
0x5b: {  	v2 =	vadd.s32 v1, v2;
	_ =	sdelay $0x3  }
0x5c: {  	s26 =	simm.s32 $0x4400  }
0x5d: {  	[tilespmem:s26], [sflag:$0x1] =	stream.indirect_vreg.gather [hbm4b:s1+s6], $0x80, v2, vm0, $0xb8;
	[tilespmem:$0x1E400] =	vst v63  }
0x5e: {  	s2 =	simm.s32 $0x4C00  }
0x5f: {  	[tilespmem:s2], [sflag:$0x1] =	stream.indirect_vreg.gather [hbm4b:s11+s6], $0x80, v2, vm0, $0xb8;
	[tilespmem:$0x1E400] =	vst v63  }
0x60: {  	s7 =	simm.s32 $0x5400  }
0x61: {  	[tilespmem:s7], [sflag:$0x1] =	stream.indirect_vreg.gather [hbm4b:s13+s6], $0x80, v2, vm0, $0xb8;
	[tilespmem:$0x1E400] =	vst v63  }
0x62: {  	s8 =	simm.s32 $0x5C00  }
0x63: {  	[tilespmem:s8], [sflag:$0x1] =	stream.indirect_vreg.gather [hbm4b:s14+s6], $0x80, v2, vm0, $0xb8;
	[tilespmem:$0x1E400] =	vst v63  }
0x64: {  	v2 =	vld.msk [tilespmem:$0x180], $0xff;
	_ =	sdelay $0x4  }
0x65: {  	v3 =	vshll.u32 v2, $0x3  }
0x66: {  	v2 =	vand.u32 $0x7, v2;
	v3 =	vand.u32 $0xFFFFFFC0, v3  }
0x67: {  	v2 =	vor.u32 v2, v3  }
0x68: {  	v2 =	vperm.xlane v2, v0;
	_ =	sdelay $0x1  }
0x69: {  	v2 =	vadd.s32 v1, v2;
	_ =	sdelay $0x3  }
0x6a: {  	s12 =	simm.s32 $0x6400  }
0x6b: {  	[tilespmem:s12], [sflag:$0x1] =	stream.indirect_vreg.gather [hbm4b:s1+s6], $0x80, v2, vm0, $0xb8;
	[tilespmem:$0x1E400] =	vst v63  }
0x6c: {  	s15 =	simm.s32 $0x6C00  }
0x6d: {  	[tilespmem:s15], [sflag:$0x1] =	stream.indirect_vreg.gather [hbm4b:s11+s6], $0x80, v2, vm0, $0xb8;
	[tilespmem:$0x1E400] =	vst v63  }
0x6e: {  	s20 =	simm.s32 $0x7400  }
0x6f: {  	[tilespmem:s20], [sflag:$0x1] =	stream.indirect_vreg.gather [hbm4b:s13+s6], $0x80, v2, vm0, $0xb8;
	[tilespmem:$0x1E400] =	vst v63  }
0x70: {  	s21 =	simm.s32 $0x7C00  }
0x71: {  	[tilespmem:s21], [sflag:$0x1] =	stream.indirect_vreg.gather [hbm4b:s14+s6], $0x80, v2, vm0, $0xb8;
	[tilespmem:$0x1E400] =	vst v63  }
0x72: {  	s25 =	rddreg [dreg:$0x7];
	s26 =	simm.s32 $0x8400  }
0x73: {  	[tilespmem:s26], [sflag:$0x1] =	stream.linear.gather [hbm4b:s25+s6], $0x2000, $0x38;
	[tilespmem:$0x1E400] =	vst v63  }
0x74: {  	v2 =	vld.msk [tilespmem:$0x8], $0xff;
	_ =	sdelay $0x4  }
0x75: {  	v3 =	vshll.u32 v2, $0x3  }
0x76: {  	v2 =	vand.u32 $0x7, v2;
	v3 =	vand.u32 $0xFFFFFFC0, v3  }
0x77: {  	v2 =	vor.u32 v2, v3  }
0x78: {  	v2 =	vperm.xlane v2, v0;
	_ =	sdelay $0x1  }
0x79: {  	v2 =	vadd.s32 v1, v2;
	_ =	sdelay $0x3  }
0x7a: {  	s2 =	simm.s32 $0xA400  }
0x7b: {  	[tilespmem:s2], [sflag:$0x2] =	stream.indirect_vreg.gather [hbm4b:s1+s6], $0x80, v2, vm0, $0xb8;
	[tilespmem:$0x1E400] =	vst v63  }
0x7c: {  	s7 =	simm.s32 $0xAC00  }
0x7d: {  	[tilespmem:s7], [sflag:$0x2] =	stream.indirect_vreg.gather [hbm4b:s11+s6], $0x80, v2, vm0, $0xb8;
	[tilespmem:$0x1E400] =	vst v63  }
0x7e: {  	s8 =	simm.s32 $0xB400  }
0x7f: {  	[tilespmem:s8], [sflag:$0x2] =	stream.indirect_vreg.gather [hbm4b:s13+s6], $0x80, v2, vm0, $0xb8;
	[tilespmem:$0x1E400] =	vst v63  }
0x80: {  	s12 =	simm.s32 $0xBC00  }
0x81: {  	[tilespmem:s12], [sflag:$0x2] =	stream.indirect_vreg.gather [hbm4b:s14+s6], $0x80, v2, vm0, $0xb8;
	[tilespmem:$0x1E400] =	vst v63  }
0x82: {  	v2 =	vld.msk [tilespmem:$0x88], $0xff;
	_ =	sdelay $0x4  }
0x83: {  	v3 =	vshll.u32 v2, $0x3  }
0x84: {  	v2 =	vand.u32 $0x7, v2;
	v3 =	vand.u32 $0xFFFFFFC0, v3  }
0x85: {  	v2 =	vor.u32 v2, v3  }
0x86: {  	v2 =	vperm.xlane v2, v0;
	_ =	sdelay $0x1  }
0x87: {  	v2 =	vadd.s32 v1, v2;
	_ =	sdelay $0x3  }
0x88: {  	s15 =	simm.s32 $0xC400  }
0x89: {  	[tilespmem:s15], [sflag:$0x2] =	stream.indirect_vreg.gather [hbm4b:s1+s6], $0x80, v2, vm0, $0xb8;
	[tilespmem:$0x1E400] =	vst v63  }
0x8a: {  	s20 =	simm.s32 $0xCC00  }
0x8b: {  	[tilespmem:s20], [sflag:$0x2] =	stream.indirect_vreg.gather [hbm4b:s11+s6], $0x80, v2, vm0, $0xb8;
	[tilespmem:$0x1E400] =	vst v63  }
0x8c: {  	s21 =	simm.s32 $0xD400  }
0x8d: {  	[tilespmem:s21], [sflag:$0x2] =	stream.indirect_vreg.gather [hbm4b:s13+s6], $0x80, v2, vm0, $0xb8;
	[tilespmem:$0x1E400] =	vst v63  }
0x8e: {  	s25 =	simm.s32 $0xDC00  }
0x8f: {  	[tilespmem:s25], [sflag:$0x2] =	stream.indirect_vreg.gather [hbm4b:s14+s6], $0x80, v2, vm0, $0xb8;
	[tilespmem:$0x1E400] =	vst v63  }
0x90: {  	v2 =	vld.msk [tilespmem:$0x108], $0xff;
	_ =	sdelay $0x4  }
0x91: {  	v3 =	vshll.u32 v2, $0x3  }
0x92: {  	v2 =	vand.u32 $0x7, v2;
	v3 =	vand.u32 $0xFFFFFFC0, v3  }
0x93: {  	v2 =	vor.u32 v2, v3  }
0x94: {  	v2 =	vperm.xlane v2, v0;
	_ =	sdelay $0x1  }
0x95: {  	v2 =	vadd.s32 v1, v2;
	_ =	sdelay $0x3  }
0x96: {  	s26 =	simm.s32 $0xE400  }
0x97: {  	[tilespmem:s26], [sflag:$0x2] =	stream.indirect_vreg.gather [hbm4b:s1+s6], $0x80, v2, vm0, $0xb8;
	[tilespmem:$0x1E400] =	vst v63  }
0x98: {  	s2 =	simm.s32 $0xEC00  }
0x99: {  	[tilespmem:s2], [sflag:$0x2] =	stream.indirect_vreg.gather [hbm4b:s11+s6], $0x80, v2, vm0, $0xb8;
	[tilespmem:$0x1E400] =	vst v63  }
0x9a: {  	s7 =	simm.s32 $0xF400  }
0x9b: {  	[tilespmem:s7], [sflag:$0x2] =	stream.indirect_vreg.gather [hbm4b:s13+s6], $0x80, v2, vm0, $0xb8;
	[tilespmem:$0x1E400] =	vst v63  }
0x9c: {  	s8 =	simm.s32 $0xFC00  }
0x9d: {  	[tilespmem:s8], [sflag:$0x2] =	stream.indirect_vreg.gather [hbm4b:s14+s6], $0x80, v2, vm0, $0xb8;
	[tilespmem:$0x1E400] =	vst v63  }
0x9e: {  	v2 =	vld.msk [tilespmem:$0x188], $0xff;
	_ =	sdelay $0x4  }
0x9f: {  	v3 =	vshll.u32 v2, $0x3  }
0xa0: {  	v2 =	vand.u32 $0x7, v2;
	v3 =	vand.u32 $0xFFFFFFC0, v3  }
0xa1: {  	v2 =	vor.u32 v2, v3  }
0xa2: {  	v2 =	vperm.xlane v2, v0;
	_ =	sdelay $0x1  }
0xa3: {  	v2 =	vadd.s32 v1, v2;
	_ =	sdelay $0x3  }
0xa4: {  	s12 =	simm.s32 $0x10400  }
0xa5: {  	[tilespmem:s12], [sflag:$0x2] =	stream.indirect_vreg.gather [hbm4b:s1+s6], $0x80, v2, vm0, $0xb8;
	[tilespmem:$0x1E400] =	vst v63  }
0xa6: {  	s15 =	simm.s32 $0x10C00  }
0xa7: {  	[tilespmem:s15], [sflag:$0x2] =	stream.indirect_vreg.gather [hbm4b:s11+s6], $0x80, v2, vm0, $0xb8;
	[tilespmem:$0x1E400] =	vst v63  }
0xa8: {  	s20 =	simm.s32 $0x11400  }
0xa9: {  	[tilespmem:s20], [sflag:$0x2] =	stream.indirect_vreg.gather [hbm4b:s13+s6], $0x80, v2, vm0, $0xb8;
	[tilespmem:$0x1E400] =	vst v63  }
.Ltmp2:
0xaa: {  	_ = 	snop;
	(pc) =	sbr.rel .LBB2_2-.Ltmp2, $4  }
0xab: {  	s21 =	simm.s32 $0x11C00  }
0xac: {  	[tilespmem:s21], [sflag:$0x2] =	stream.indirect_vreg.gather [hbm4b:s14+s6], $0x80, v2, vm0, $0xb8;
	[tilespmem:$0x1E400] =	vst v63  }
0xad: {  	s31 =	simm.s32 $0x0;
	s25 =	rddreg [dreg:$0x8];
	s26 =	simm.s32 $0x12400  }
0xae: {  	[tilespmem:s26], [sflag:$0x2] =	stream.linear.gather [hbm4b:s25+s6], $0x2000, $0x38;
	[tilespmem:$0x1E400] =	vst v63  }
.LBB2_5:
0xaf: {  	s2 =	smul.u32 $0xAB, s0;
	_ =	sdelay $0x1  }
0xb0: {  	s2 =	sshrl.u32 s2, $0x9  }
0xb1: {  	s2 =	sand.u32 $0x7F, s2  }
0xb2: {  	s2 =	smul.u32 $0x3, s2;
	_ =	sdelay $0x1  }
0xb3: {  	s26 =	ssub.s32 s0, s2  }
0xb4: {  	s0 =	sor.u32 $0x4, s26  }
0xb5: {  	s0 =	sand.u32 $0xFF, s0  }
0xb6: {  	_ =	swait.ge [sflag:s0], $0x8000  }
0xb7: {  	[sflag:s0] =	ssyncset.done $0x0  }
0xb8: {  	[sflag:s0] =	ssyncadd.s32 $0xFFFF8000  }
.LBB2_7:
0xb9: {  	s2 =	sadd.s32 $0x2, s31  }
0xba: {  	s0 =	sshll.u32 s2, $0x3;
	s7 =	sshll.u32 s2, $0x5  }
0xbb: {  	s8 =	sand.u32 $0x78, s0;
	s7 =	sand.u32 $0x600, s7  }
0xbc: {  	s7 =	sor.u32 s8, s7  }
0xbd: {  	v2 =	vld.msk [tilespmem:s7+$0x0], $0xff;
	_ =	sdelay $0x4  }
0xbe: {  	s20 =	smulhi.u32 $0xAAAAAAAB, s2;
	v3 =	vshll.u32 v2, $0x3  }
0xbf: {  	v2 =	vand.u32 $0x7, v2;
	v3 =	vand.u32 $0xFFFFFFC0, v3  }
0xc0: {  	s8 =	sshrl.u32 s20, $0x1;
	v2 =	vor.u32 v2, v3  }
0xc1: {  	s8 =	smul.u32 $0x3, s8;
	v2 =	vperm.xlane v2, v0;
	_ =	sdelay $0x1  }
0xc2: {  	s2 =	ssub.s32 s2, s8;
	v2 =	vadd.s32 v1, v2  }
0xc3: {  	s8 =	smul.u32 $0x28000, s2;
	_ =	sdelay $0x1  }
0xc4: {  	s8 =	sshrl.u32 s8, $0x2  }
0xc5: {  	s2 =	sadd.s32 $0x1, s2;
	s12 =	sor.u32 $0x400, s8  }
0xc6: {  	[tilespmem:s12], [sflag:s2] =	stream.indirect_vreg.gather [hbm4b:s1+s6], $0x80, v2, vm0, $0xb8;
	[tilespmem:$0x1E400] =	vst v63  }
0xc7: {  	s21 =	sor.u32 $0xC00, s8  }
0xc8: {  	[tilespmem:s21], [sflag:s2] =	stream.indirect_vreg.gather [hbm4b:s11+s6], $0x80, v2, vm0, $0xb8;
	[tilespmem:$0x1E400] =	vst v63  }
0xc9: {  	s25 =	sor.u32 $0x1400, s8  }
0xca: {  	[tilespmem:s25], [sflag:s2] =	stream.indirect_vreg.gather [hbm4b:s13+s6], $0x80, v2, vm0, $0xb8;
	[tilespmem:$0x1E400] =	vst v63  }
0xcb: {  	s15 =	sor.u32 $0x80, s7;
	s26 =	sor.u32 $0x1C00, s8  }
0xcc: {  	[tilespmem:s26], [sflag:s2] =	stream.indirect_vreg.gather [hbm4b:s14+s6], $0x80, v2, vm0, $0xb8;
	[tilespmem:$0x1E400] =	vst v63  }
0xcd: {  	v2 =	vld.msk [tilespmem:s15+$0x0], $0xff;
	_ =	sdelay $0x4  }
0xce: {  	v3 =	vshll.u32 v2, $0x3  }
0xcf: {  	v2 =	vand.u32 $0x7, v2;
	v3 =	vand.u32 $0xFFFFFFC0, v3  }
0xd0: {  	v2 =	vor.u32 v2, v3  }
0xd1: {  	v2 =	vperm.xlane v2, v0;
	_ =	sdelay $0x1  }
0xd2: {  	v2 =	vadd.s32 v1, v2;
	_ =	sdelay $0x3  }
0xd3: {  	s20 =	sadd.s32 $0x2400, s8  }
0xd4: {  	[tilespmem:s20], [sflag:s2] =	stream.indirect_vreg.gather [hbm4b:s1+s6], $0x80, v2, vm0, $0xb8;
	[tilespmem:$0x1E400] =	vst v63  }
0xd5: {  	s21 =	sadd.s32 $0x2C00, s8  }
0xd6: {  	[tilespmem:s21], [sflag:s2] =	stream.indirect_vreg.gather [hbm4b:s11+s6], $0x80, v2, vm0, $0xb8;
	[tilespmem:$0x1E400] =	vst v63  }
0xd7: {  	s25 =	sadd.s32 $0x3400, s8  }
0xd8: {  	[tilespmem:s25], [sflag:s2] =	stream.indirect_vreg.gather [hbm4b:s13+s6], $0x80, v2, vm0, $0xb8;
	[tilespmem:$0x1E400] =	vst v63  }
0xd9: {  	s26 =	sadd.s32 $0x3C00, s8;
	s15 =	sor.u32 $0x100, s7  }
0xda: {  	[tilespmem:s26], [sflag:s2] =	stream.indirect_vreg.gather [hbm4b:s14+s6], $0x80, v2, vm0, $0xb8;
	[tilespmem:$0x1E400] =	vst v63  }
0xdb: {  	v2 =	vld.msk [tilespmem:s15+$0x0], $0xff;
	_ =	sdelay $0x4  }
0xdc: {  	v3 =	vshll.u32 v2, $0x3  }
0xdd: {  	v2 =	vand.u32 $0x7, v2;
	v3 =	vand.u32 $0xFFFFFFC0, v3  }
0xde: {  	v2 =	vor.u32 v2, v3  }
0xdf: {  	v2 =	vperm.xlane v2, v0;
	_ =	sdelay $0x1  }
0xe0: {  	v2 =	vadd.s32 v1, v2;
	_ =	sdelay $0x3  }
0xe1: {  	s20 =	sadd.s32 $0x4400, s8  }
0xe2: {  	[tilespmem:s20], [sflag:s2] =	stream.indirect_vreg.gather [hbm4b:s1+s6], $0x80, v2, vm0, $0xb8;
	[tilespmem:$0x1E400] =	vst v63  }
0xe3: {  	s21 =	sadd.s32 $0x4C00, s8  }
0xe4: {  	[tilespmem:s21], [sflag:s2] =	stream.indirect_vreg.gather [hbm4b:s11+s6], $0x80, v2, vm0, $0xb8;
	[tilespmem:$0x1E400] =	vst v63  }
0xe5: {  	s25 =	sadd.s32 $0x5400, s8  }
0xe6: {  	[tilespmem:s25], [sflag:s2] =	stream.indirect_vreg.gather [hbm4b:s13+s6], $0x80, v2, vm0, $0xb8;
	[tilespmem:$0x1E400] =	vst v63  }
0xe7: {  	s7 =	sor.u32 $0x180, s7;
	s26 =	sadd.s32 $0x5C00, s8  }
0xe8: {  	[tilespmem:s26], [sflag:s2] =	stream.indirect_vreg.gather [hbm4b:s14+s6], $0x80, v2, vm0, $0xb8;
	[tilespmem:$0x1E400] =	vst v63  }
0xe9: {  	v2 =	vld.msk [tilespmem:s7+$0x0], $0xff;
	_ =	sdelay $0x4  }
0xea: {  	v3 =	vshll.u32 v2, $0x3  }
0xeb: {  	v2 =	vand.u32 $0x7, v2;
	v3 =	vand.u32 $0xFFFFFFC0, v3  }
0xec: {  	v2 =	vor.u32 v2, v3  }
0xed: {  	v2 =	vperm.xlane v2, v0;
	_ =	sdelay $0x1  }
0xee: {  	v2 =	vadd.s32 v1, v2;
	_ =	sdelay $0x3  }
0xef: {  	s15 =	sadd.s32 $0x6400, s8  }
0xf0: {  	[tilespmem:s15], [sflag:s2] =	stream.indirect_vreg.gather [hbm4b:s1+s6], $0x80, v2, vm0, $0xb8;
	[tilespmem:$0x1E400] =	vst v63  }
0xf1: {  	s20 =	sadd.s32 $0x6C00, s8  }
0xf2: {  	[tilespmem:s20], [sflag:s2] =	stream.indirect_vreg.gather [hbm4b:s11+s6], $0x80, v2, vm0, $0xb8;
	[tilespmem:$0x1E400] =	vst v63  }
0xf3: {  	s0 =	sadd.s32 s5, s0;
	s21 =	sadd.s32 $0x7400, s8  }
0xf4: {  	[tilespmem:s21], [sflag:s2] =	stream.indirect_vreg.gather [hbm4b:s13+s6], $0x80, v2, vm0, $0xb8;
	[tilespmem:$0x1E400] =	vst v63  }
0xf5: {  	s0 =	sshll.u32 s0, $0x7;
	s25 =	sadd.s32 $0x7C00, s8  }
0xf6: {  	[tilespmem:s25], [sflag:s2] =	stream.indirect_vreg.gather [hbm4b:s14+s6], $0x80, v2, vm0, $0xb8;
	[tilespmem:$0x1E400] =	vst v63  }
0xf7: {  	s0 =	sadd.s32 s3, s0;
	s26 =	sadd.s32 $0x8400, s8  }
0xf8: {  	[tilespmem:s26], [sflag:s2] =	stream.linear.gather [hbm4b:s0+s6], $0x2000, $0x38;
	[tilespmem:$0x1E400] =	vst v63  }
.LBB2_8:
0xf9: {  	s31 =	sadd.s32 $0x1, s31  }
0xfa: {  	p0 =	sne.s32 s31, $0x20  }
.Ltmp3:
0xfb: {  	_ = 	snop;
	(pc) =	sbr.rel @!p0 .LBB2_9-.Ltmp3, $1  }
0xfc: {  	_ =	sdelay $0x3  }
.LBB2_2:
0xfd: {  	s0 =	smul.u32 $0xAB, s31;
	_ =	sdelay $0x1  }
0xfe: {  	s0 =	sshrl.u32 s0, $0x9  }
0xff: {  	s0 =	sand.u32 $0x7F, s0  }
0x100: {  	s0 =	smul.u32 $0x3, s0;
	_ =	sdelay $0x1  }
0x101: {  	s0 =	ssub.s32 s31, s0  }
0x102: {  	s0 =	sand.u32 $0xFF, s0  }
0x103: {  	s2 =	smul.u32 $0x28000, s0;
	_ =	sdelay $0x1  }
0x104: {  	s21 =	simm.s32 $0x0;
	s8 =	sadd.s32 $0x1, s0;
	s2 =	sshrl.u32 s2, $0x2  }
0x105: {  	s12 =	sand.u32 $0x1C00, s21;
	_ =	swait.ge [sflag:s8], $0xA000;
	s7 =	sor.u32 $0x400, s2  }
0x106: {  	s15 =	sand.u32 $0x70, s21;
	[sflag:s8] =	ssyncset.done $0x0;
	s12 =	sadd.s32 s12, s7  }
0x107: {  	[sflag:s8] =	ssyncadd.s32 $0xFFFF6000;
	s15 =	sadd.s32 s15, s12  }
0x108: {  	v5 =	vld [tilespmem:s15+$0x6300]  }
0x109: {  	v3 =	vld [tilespmem:s15+$0x4180]  }
0x10a: {  	v4 =	vld [tilespmem:s15+$0x6180]  }
0x10b: {  	v8 =	vld [tilespmem:s15+$0x200]  }
0x10c: {  	v6 =	vld [tilespmem:s15+$0x8200]  }
0x10d: {  	v10 =	vld [tilespmem:s15+$0x2200]  }
0x10e: {  	v7 =	vld [tilespmem:s15+$0x6200]  }
0x10f: {  	v22 =	vld [tilespmem:s15+$0x4100]  }
0x110: {  	v9 =	vld [tilespmem:s15+$0x4200]  }
0x111: {  	v25 =	vld [tilespmem:s15+$0x8100]  }
0x112: {  	v2 =	vld [tilespmem:s15+$0x2080]  }
0x113: {  	v16 =	vld [tilespmem:s15+$0x100]  }
0x114: {  	v23 =	vld [tilespmem:s15+$0x2100]  }
0x115: {  	v13 =	vld [tilespmem:s15+$0x80]  }
0x116: {  	v11 =	vld [tilespmem:s15+$0x4300]  }
0x117: {  	v17 =	vld [tilespmem:s15+$0x6080]  }
0x118: {  	v18 =	vld [tilespmem:s15+$0x8080]  }
0x119: {  	v26 =	vld [tilespmem:s15+$0x6100]  }
0x11a: {  	v19 =	vld [tilespmem:s15+$0x4080]  }
0x11b: {  	v12 =	vld [tilespmem:s15+$0x6000]  }
0x11c: {  	v15 =	vld [tilespmem:s15+$0x0]  }
0x11d: {  	v14 =	vld [tilespmem:s15+$0x2300];
	v27 =	vadd.f32 v13, v18;
	v20 =	vadd.f32 v2, v18  }
0x11e: {  	v13 =	vld [tilespmem:s15+$0x8000];
	v21 =	vadd.f32 v16, v25;
	v24 =	vadd.f32 v23, v25  }
0x11f: {  	s25 =	simm.s32 $0x10;
	s20 =	sor.u32 s21, s21;
	v2 =	vmov s7;
	v16 =	vld [tilespmem:s15+$0x2000];
	v23 =	vadd.f32 v22, v25;
	v22 =	vadd.f32 v26, v25;
	[tilespmem:s15+$0x80] =	vst v27  }
.LBB2_3:
0x120: {  	p0 =	sne.s32 s25, $0x3F0  }
0x121: {  	v19 =	vadd.f32 v19, v18;
	v17 =	vadd.f32 v17, v18;
	[tilespmem:s15+$0x2100] =	vst v24;
	v18 =	vld [tilespmem:s15+$0x300];
	s21 =	sadd.s32 $0x80, s21;
	s8 =	smov.u32 s25;
	s25 =	sadd.s32 $0x10, s25  }
0x122: {  	s12 =	sor.u32 s21, s8;
	[tilespmem:s15+$0x2080] =	vst v20;
	v20 =	vld [tilespmem:s15+$0x8300]  }
0x123: {  	[tilespmem:s15+$0x100] =	vst v21;
	v21 =	vld [tilespmem:s15+$0x180]  }
0x124: {  	v8 =	vadd.f32 v8, v6;
	v10 =	vadd.f32 v10, v6;
	[tilespmem:s15+$0x4100] =	vst v23;
	v23 =	vld [tilespmem:s15+$0x8180]  }
0x125: {  	v9 =	vadd.f32 v9, v6;
	v6 =	vadd.f32 v7, v6;
	[tilespmem:s15+$0x6100] =	vst v22;
	v22 =	vld [tilespmem:s15+$0x2180]  }
0x126: {  	v7 =	vadd.f32 v15, v13;
	v15 =	vadd.f32 v16, v13;
	v16 =	vld [tilespmem:s15+$0x4000];
	[tilespmem:s15+$0x4080] =	vst v19  }
0x127: {  	[tilespmem:s15+$0x2200] =	vst v10;
	v10 =	vadd.f32 v18, v20;
	v14 =	vadd.f32 v14, v20  }
0x128: {  	v5 =	vadd.f32 v5, v20;
	[tilespmem:s15+$0x0] =	vst v7;
	v7 =	vadd.f32 v11, v20  }
0x129: {  	[tilespmem:s15+$0x6080] =	vst v17;
	v11 =	vadd.f32 v21, v23;
	v4 =	vadd.f32 v4, v23  }
0x12a: {  	v3 =	vadd.f32 v3, v23;
	v17 =	vadd.f32 v22, v23;
	[tilespmem:s15+$0x2300] =	vst v14  }
0x12b: {  	v12 =	vadd.f32 v12, v13;
	v14 =	vadd.f32 v16, v13;
	[tilespmem:s15+$0x300] =	vst v10  }
0x12c: {  	[tilespmem:s15+$0x4300] =	vst v7  }
0x12d: {  	[tilespmem:s15+$0x6000] =	vst v12;
	v7 =	vld [tilespmem:s15+$0x6280]  }
0x12e: {  	[tilespmem:s15+$0x200] =	vst v8;
	v8 =	vld [tilespmem:s15+$0x2280]  }
0x12f: {  	[tilespmem:s15+$0x2000] =	vst v15;
	v10 =	vld [tilespmem:s15+$0x280]  }
0x130: {  	[tilespmem:s15+$0x4000] =	vst v14;
	v12 =	vld [tilespmem:s15+$0x8280]  }
0x131: {  	v13 =	vld [tilespmem:s15+$0x4280];
	[tilespmem:s15+$0x6300] =	vst v5  }
0x132: {  	[tilespmem:s15+$0x6200] =	vst v6  }
0x133: {  	[tilespmem:s15+$0x4200] =	vst v9  }
0x134: {  	[tilespmem:s15+$0x180] =	vst v11  }
0x135: {  	[tilespmem:s15+$0x6180] =	vst v4;
	v4 =	vadd.f32 v8, v12;
	v5 =	vadd.f32 v7, v12  }
0x136: {  	[tilespmem:s15+$0x4180] =	vst v3;
	v3 =	vadd.f32 v10, v12;
	v6 =	vadd.f32 v13, v12  }
0x137: {  	[tilespmem:s15+$0x2280] =	vst v4  }
0x138: {  	[tilespmem:s15+$0x2180] =	vst v17  }
0x139: {  	[tilespmem:s15+$0x6280] =	vst v5  }
0x13a: {  	[tilespmem:s15+$0x4280] =	vst v6  }
0x13b: {  	s26 =	sor.u32 $0x380, s20;
	s20 =	smov.u32 s12;
	[tilespmem:s15+$0x280] =	vst v3  }
0x13c: {  	v3 =	vld.idx.msk [tilespmem:v2+s26+$0x0 ss:$0x1], $0xffff  }
0x13d: {  	v7 =	vld [tilespmem:s15+$0x8380];
	_ =	sdelay $0x4  }
0x13e: {  	v3 =	vadd.f32 v3, v7;
	_ =	sdelay $0x1  }
0x13f: {  	[tilespmem:v2+s26+$0x0 ss:$0x1] =	vst.idx.msk $0xffff, v3  }
0x140: {  	s12 =	sand.u32 $0x1C00, s21;
	v6 =	vld [tilespmem:s15+$0x6380]  }
0x141: {  	s8 =	sand.u32 $0x70, s8;
	s12 =	sadd.s32 s12, s7;
	v9 =	vld [tilespmem:s15+$0x4380]  }
0x142: {  	s8 =	sadd.s32 s8, s12;
	v10 =	vld [tilespmem:s15+$0x2380]  }
0x143: {  	v5 =	vld [tilespmem:s8+$0x6300]  }
0x144: {  	v3 =	vld [tilespmem:s8+$0x4180]  }
0x145: {  	v4 =	vld [tilespmem:s8+$0x6180];
	v11 =	vadd.f32 v6, v7  }
0x146: {  	v8 =	vld [tilespmem:s8+$0x200];
	v9 =	vadd.f32 v9, v7  }
0x147: {  	v6 =	vld [tilespmem:s8+$0x8200];
	v12 =	vadd.f32 v10, v7;
	[tilespmem:s15+$0x6380] =	vst v11  }
0x148: {  	v10 =	vld [tilespmem:s8+$0x2200];
	[tilespmem:s15+$0x4380] =	vst v9  }
0x149: {  	v7 =	vld [tilespmem:s8+$0x6200];
	[tilespmem:s15+$0x2380] =	vst v12;
	s15 =	smov.u32 s8  }
0x14a: {  	v22 =	vld [tilespmem:s15+$0x4100]  }
0x14b: {  	v9 =	vld [tilespmem:s15+$0x4200]  }
0x14c: {  	v25 =	vld [tilespmem:s15+$0x8100]  }
0x14d: {  	v13 =	vld [tilespmem:s15+$0x2080]  }
0x14e: {  	v16 =	vld [tilespmem:s15+$0x100]  }
0x14f: {  	v23 =	vld [tilespmem:s15+$0x2100]  }
0x150: {  	v14 =	vld [tilespmem:s15+$0x80]  }
0x151: {  	v11 =	vld [tilespmem:s15+$0x4300]  }
0x152: {  	v17 =	vld [tilespmem:s15+$0x6080]  }
0x153: {  	v18 =	vld [tilespmem:s15+$0x8080]  }
0x154: {  	v26 =	vld [tilespmem:s15+$0x6100]  }
0x155: {  	v19 =	vld [tilespmem:s15+$0x4080]  }
.Ltmp4:
0x156: {  	v12 =	vld [tilespmem:s15+$0x6000];
	(pc) =	sbr.rel @p0 .LBB2_3-.Ltmp4, $4  }
0x157: {  	v15 =	vld [tilespmem:s15+$0x0]  }
0x158: {  	v27 =	vadd.f32 v14, v18;
	v20 =	vadd.f32 v13, v18;
	v14 =	vld [tilespmem:s15+$0x2300]  }
0x159: {  	v21 =	vadd.f32 v16, v25;
	v24 =	vadd.f32 v23, v25;
	v13 =	vld [tilespmem:s15+$0x8000]  }
0x15a: {  	v23 =	vadd.f32 v22, v25;
	v22 =	vadd.f32 v26, v25;
	v16 =	vld [tilespmem:s15+$0x2000];
	[tilespmem:s15+$0x80] =	vst v27  }
0x15b: {  	[tilespmem:s15+$0x2100] =	vst v24  }
0x15c: {  	[tilespmem:s15+$0x2080] =	vst v20  }
0x15d: {  	[tilespmem:s15+$0x100] =	vst v21  }
0x15e: {  	v19 =	vadd.f32 v19, v18;
	[tilespmem:s15+$0x4100] =	vst v23  }
0x15f: {  	v10 =	vadd.f32 v10, v6;
	[tilespmem:s15+$0x6100] =	vst v22  }
0x160: {  	v17 =	vadd.f32 v17, v18;
	[tilespmem:s15+$0x4080] =	vst v19  }
0x161: {  	v8 =	vadd.f32 v8, v6;
	[tilespmem:s15+$0x2200] =	vst v10  }
0x162: {  	v40 =	vld [tilespmem:s15+$0x8300];
	v7 =	vadd.f32 v7, v6;
	[tilespmem:s15+$0x6080] =	vst v17  }
0x163: {  	v41 =	vld [tilespmem:s15+$0x300];
	v53 =	vadd.f32 v9, v6;
	[tilespmem:s15+$0x200] =	vst v8  }
0x164: {  	[tilespmem:s15+$0x6200] =	vst v7;
	v15 =	vadd.f32 v15, v13  }
0x165: {  	v43 =	vld [tilespmem:s15+$0x4000];
	[tilespmem:s15+$0x4200] =	vst v53;
	v45 =	vadd.f32 v12, v13  }
0x166: {  	v46 =	vld [tilespmem:s15+$0x180];
	v48 =	vadd.f32 v16, v13;
	[tilespmem:s15+$0x0] =	vst v15  }
0x167: {  	v47 =	vld [tilespmem:s15+$0x8180];
	v42 =	vadd.f32 v14, v40;
	[tilespmem:s15+$0x6000] =	vst v45  }
0x168: {  	v44 =	vadd.f32 v41, v40;
	[tilespmem:s15+$0x2000] =	vst v48  }
0x169: {  	v50 =	vld [tilespmem:s15+$0x2280];
	v11 =	vadd.f32 v11, v40;
	[tilespmem:s15+$0x2300] =	vst v42  }
0x16a: {  	v51 =	vld [tilespmem:s15+$0x8280];
	v49 =	vadd.f32 v43, v13;
	[tilespmem:s15+$0x300] =	vst v44  }
0x16b: {  	v52 =	vld [tilespmem:s15+$0x2180];
	v5 =	vadd.f32 v5, v40;
	[tilespmem:s15+$0x4300] =	vst v11  }
0x16c: {  	v56 =	vld [tilespmem:s15+$0x4280];
	v54 =	vadd.f32 v46, v47;
	[tilespmem:s15+$0x4000] =	vst v49  }
0x16d: {  	v57 =	vld [tilespmem:s15+$0x280];
	v4 =	vadd.f32 v4, v47;
	[tilespmem:s15+$0x6300] =	vst v5  }
0x16e: {  	v55 =	vld [tilespmem:s15+$0x6280];
	v3 =	vadd.f32 v3, v47;
	[tilespmem:s15+$0x180] =	vst v54  }
0x16f: {  	v58 =	vadd.f32 v50, v51;
	[tilespmem:s15+$0x6180] =	vst v4  }
0x170: {  	v59 =	vadd.f32 v52, v47;
	[tilespmem:s15+$0x4180] =	vst v3  }
0x171: {  	v60 =	vadd.f32 v56, v51;
	[tilespmem:s15+$0x2280] =	vst v58  }
0x172: {  	v61 =	vadd.f32 v57, v51;
	[tilespmem:s15+$0x2180] =	vst v59  }
0x173: {  	v3 =	vadd.f32 v55, v51;
	[tilespmem:s15+$0x4280] =	vst v60  }
0x174: {  	[tilespmem:s15+$0x280] =	vst v61  }
0x175: {  	s8 =	sor.u32 $0x380, s20;
	v62 =	vld [tilespmem:s15+$0x8380];
	[tilespmem:s15+$0x6280] =	vst v3  }
0x176: {  	v3 =	vld.idx.msk [tilespmem:v2+s8+$0x0 ss:$0x1], $0xffff;
	_ =	sdelay $0x4  }
0x177: {  	v3 =	vadd.f32 v3, v62;
	_ =	sdelay $0x1  }
0x178: {  	[tilespmem:v2+s8+$0x0 ss:$0x1] =	vst.idx.msk $0xffff, v3  }
0x179: {  	v2 =	vld [tilespmem:s15+$0x6380]  }
0x17a: {  	v3 =	vld [tilespmem:s15+$0x4380]  }
0x17b: {  	v63 =	vld [tilespmem:s15+$0x2380];
	_ =	sdelay $0x2  }
0x17c: {  	v2 =	vadd.f32 v2, v62  }
0x17d: {  	v3 =	vadd.f32 v3, v62  }
0x17e: {  	s12 =	sshll.u32 s31, $0xC;
	v4 =	vadd.f32 v63, v62;
	[tilespmem:s15+$0x6380] =	vst v2  }
0x17f: {  	s8 =	sadd.s32 s16, s12;
	[tilespmem:s15+$0x4380] =	vst v3  }
0x180: {  	s0 =	sadd.s32 $0x4, s0;
	s12 =	sadd.s32 s4, s8;
	[tilespmem:s15+$0x2380] =	vst v4  }
0x181: {  	[hbm4b:s12+s24] =	stream.strided.scatter [tilespmem:s7], [sflag:s0], $0x400, s22, s24, $0x38;
	[tilespmem:$0x1E400] =	vst v63  }
0x182: {  	s20 =	sadd.s32 $0x800, s2;
	s21 =	sadd.s32 $0x40, s12  }
0x183: {  	[hbm4b:s21+s24] =	stream.strided.scatter [tilespmem:s20], [sflag:s0], $0x400, s22, s24, $0x38;
	[tilespmem:$0x1E400] =	vst v63  }
0x184: {  	s25 =	sadd.s32 $0xC00, s2;
	s26 =	sadd.s32 $0x80, s12  }
0x185: {  	[hbm4b:s26+s24] =	stream.strided.scatter [tilespmem:s25], [sflag:s0], $0x400, s22, s24, $0x38;
	[tilespmem:$0x1E400] =	vst v63  }
0x186: {  	s20 =	sadd.s32 $0x1000, s2;
	s21 =	sadd.s32 $0xC0, s12  }
0x187: {  	[hbm4b:s21+s24] =	stream.strided.scatter [tilespmem:s20], [sflag:s0], $0x400, s22, s24, $0x38;
	[tilespmem:$0x1E400] =	vst v63  }
0x188: {  	s25 =	sadd.s32 $0x1400, s2;
	s26 =	sadd.s32 $0x100, s12  }
0x189: {  	[hbm4b:s26+s24] =	stream.strided.scatter [tilespmem:s25], [sflag:s0], $0x400, s22, s24, $0x38;
	[tilespmem:$0x1E400] =	vst v63  }
0x18a: {  	s15 =	sadd.s32 $0x1800, s2;
	s20 =	sadd.s32 $0x140, s12  }
0x18b: {  	[hbm4b:s20+s24] =	stream.strided.scatter [tilespmem:s15], [sflag:s0], $0x400, s22, s24, $0x38;
	[tilespmem:$0x1E400] =	vst v63  }
0x18c: {  	s21 =	sadd.s32 $0x1C00, s2;
	s25 =	sadd.s32 $0x180, s12  }
0x18d: {  	[hbm4b:s25+s24] =	stream.strided.scatter [tilespmem:s21], [sflag:s0], $0x400, s22, s24, $0x38;
	[tilespmem:$0x1E400] =	vst v63  }
0x18e: {  	s26 =	sadd.s32 $0x2000, s2;
	s12 =	sadd.s32 $0x1C0, s12  }
0x18f: {  	[hbm4b:s12+s24] =	stream.strided.scatter [tilespmem:s26], [sflag:s0], $0x400, s22, s24, $0x38;
	[tilespmem:$0x1E400] =	vst v63  }
0x190: {  	s7 =	sadd.s32 s8, s17;
	s15 =	sadd.s32 $0x2400, s2  }
0x191: {  	[hbm4b:s7+s24] =	stream.strided.scatter [tilespmem:s15], [sflag:s0], $0x400, s22, s24, $0x38;
	[tilespmem:$0x1E400] =	vst v63  }
0x192: {  	s20 =	sadd.s32 $0x2800, s2;
	s21 =	sadd.s32 $0x40, s7  }
0x193: {  	[hbm4b:s21+s24] =	stream.strided.scatter [tilespmem:s20], [sflag:s0], $0x400, s22, s24, $0x38;
	[tilespmem:$0x1E400] =	vst v63  }
0x194: {  	s25 =	sadd.s32 $0x2C00, s2;
	s26 =	sadd.s32 $0x80, s7  }
0x195: {  	[hbm4b:s26+s24] =	stream.strided.scatter [tilespmem:s25], [sflag:s0], $0x400, s22, s24, $0x38;
	[tilespmem:$0x1E400] =	vst v63  }
0x196: {  	s20 =	sadd.s32 $0x3000, s2;
	s21 =	sadd.s32 $0xC0, s7  }
0x197: {  	[hbm4b:s21+s24] =	stream.strided.scatter [tilespmem:s20], [sflag:s0], $0x400, s22, s24, $0x38;
	[tilespmem:$0x1E400] =	vst v63  }
0x198: {  	s25 =	sadd.s32 $0x3400, s2;
	s26 =	sadd.s32 $0x100, s7  }
0x199: {  	[hbm4b:s26+s24] =	stream.strided.scatter [tilespmem:s25], [sflag:s0], $0x400, s22, s24, $0x38;
	[tilespmem:$0x1E400] =	vst v63  }
0x19a: {  	s15 =	sadd.s32 $0x3800, s2;
	s20 =	sadd.s32 $0x140, s7  }
0x19b: {  	[hbm4b:s20+s24] =	stream.strided.scatter [tilespmem:s15], [sflag:s0], $0x400, s22, s24, $0x38;
	[tilespmem:$0x1E400] =	vst v63  }
0x19c: {  	s21 =	sadd.s32 $0x3C00, s2;
	s25 =	sadd.s32 $0x180, s7  }
0x19d: {  	[hbm4b:s25+s24] =	stream.strided.scatter [tilespmem:s21], [sflag:s0], $0x400, s22, s24, $0x38;
	[tilespmem:$0x1E400] =	vst v63  }
0x19e: {  	s26 =	sadd.s32 $0x4000, s2;
	s7 =	sadd.s32 $0x1C0, s7  }
0x19f: {  	[hbm4b:s7+s24] =	stream.strided.scatter [tilespmem:s26], [sflag:s0], $0x400, s22, s24, $0x38;
	[tilespmem:$0x1E400] =	vst v63  }
0x1a0: {  	s15 =	sadd.s32 $0x4400, s2;
	s7 =	sadd.s32 s8, s18  }
0x1a1: {  	[hbm4b:s7+s24] =	stream.strided.scatter [tilespmem:s15], [sflag:s0], $0x400, s22, s24, $0x38;
	[tilespmem:$0x1E400] =	vst v63  }
0x1a2: {  	s20 =	sadd.s32 $0x4800, s2;
	s21 =	sadd.s32 $0x40, s7  }
0x1a3: {  	[hbm4b:s21+s24] =	stream.strided.scatter [tilespmem:s20], [sflag:s0], $0x400, s22, s24, $0x38;
	[tilespmem:$0x1E400] =	vst v63  }
0x1a4: {  	s25 =	sadd.s32 $0x4C00, s2;
	s26 =	sadd.s32 $0x80, s7  }
0x1a5: {  	[hbm4b:s26+s24] =	stream.strided.scatter [tilespmem:s25], [sflag:s0], $0x400, s22, s24, $0x38;
	[tilespmem:$0x1E400] =	vst v63  }
0x1a6: {  	s20 =	sadd.s32 $0x5000, s2;
	s21 =	sadd.s32 $0xC0, s7  }
0x1a7: {  	[hbm4b:s21+s24] =	stream.strided.scatter [tilespmem:s20], [sflag:s0], $0x400, s22, s24, $0x38;
	[tilespmem:$0x1E400] =	vst v63  }
0x1a8: {  	s25 =	sadd.s32 $0x5400, s2;
	s26 =	sadd.s32 $0x100, s7  }
0x1a9: {  	[hbm4b:s26+s24] =	stream.strided.scatter [tilespmem:s25], [sflag:s0], $0x400, s22, s24, $0x38;
	[tilespmem:$0x1E400] =	vst v63  }
0x1aa: {  	s20 =	sadd.s32 $0x5800, s2;
	s21 =	sadd.s32 $0x140, s7  }
0x1ab: {  	[hbm4b:s21+s24] =	stream.strided.scatter [tilespmem:s20], [sflag:s0], $0x400, s22, s24, $0x38;
	[tilespmem:$0x1E400] =	vst v63  }
0x1ac: {  	s25 =	sadd.s32 $0x5C00, s2;
	s26 =	sadd.s32 $0x180, s7  }
0x1ad: {  	[hbm4b:s26+s24] =	stream.strided.scatter [tilespmem:s25], [sflag:s0], $0x400, s22, s24, $0x38;
	[tilespmem:$0x1E400] =	vst v63  }
0x1ae: {  	s7 =	sadd.s32 $0x1C0, s7;
	s20 =	sadd.s32 $0x6000, s2  }
0x1af: {  	[hbm4b:s7+s24] =	stream.strided.scatter [tilespmem:s20], [sflag:s0], $0x400, s22, s24, $0x38;
	[tilespmem:$0x1E400] =	vst v63  }
0x1b0: {  	s21 =	sadd.s32 $0x6400, s2;
	s7 =	sadd.s32 s8, s19  }
0x1b1: {  	[hbm4b:s7+s24] =	stream.strided.scatter [tilespmem:s21], [sflag:s0], $0x400, s22, s24, $0x38;
	[tilespmem:$0x1E400] =	vst v63  }
0x1b2: {  	s25 =	sadd.s32 $0x6800, s2;
	s26 =	sadd.s32 $0x40, s7  }
0x1b3: {  	[hbm4b:s26+s24] =	stream.strided.scatter [tilespmem:s25], [sflag:s0], $0x400, s22, s24, $0x38;
	[tilespmem:$0x1E400] =	vst v63  }
0x1b4: {  	s12 =	sadd.s32 $0x6C00, s2;
	s15 =	sadd.s32 $0x80, s7  }
0x1b5: {  	[hbm4b:s15+s24] =	stream.strided.scatter [tilespmem:s12], [sflag:s0], $0x400, s22, s24, $0x38;
	[tilespmem:$0x1E400] =	vst v63  }
0x1b6: {  	s20 =	sadd.s32 $0x7000, s2;
	s21 =	sadd.s32 $0xC0, s7  }
0x1b7: {  	[hbm4b:s21+s24] =	stream.strided.scatter [tilespmem:s20], [sflag:s0], $0x400, s22, s24, $0x38;
	[tilespmem:$0x1E400] =	vst v63  }
0x1b8: {  	s25 =	sadd.s32 $0x7400, s2;
	s26 =	sadd.s32 $0x100, s7  }
0x1b9: {  	[hbm4b:s26+s24] =	stream.strided.scatter [tilespmem:s25], [sflag:s0], $0x400, s22, s24, $0x38;
	[tilespmem:$0x1E400] =	vst v63  }
0x1ba: {  	s15 =	sadd.s32 $0x7800, s2;
	s20 =	sadd.s32 $0x140, s7  }
0x1bb: {  	[hbm4b:s20+s24] =	stream.strided.scatter [tilespmem:s15], [sflag:s0], $0x400, s22, s24, $0x38;
	[tilespmem:$0x1E400] =	vst v63  }
0x1bc: {  	s21 =	sadd.s32 $0x7C00, s2;
	s25 =	sadd.s32 $0x180, s7  }
0x1bd: {  	[hbm4b:s25+s24] =	stream.strided.scatter [tilespmem:s21], [sflag:s0], $0x400, s22, s24, $0x38;
	[tilespmem:$0x1E400] =	vst v63  }
0x1be: {  	s26 =	sadd.s32 $0x8000, s2;
	s7 =	sadd.s32 $0x1C0, s7  }
0x1bf: {  	[hbm4b:s7+s24] =	stream.strided.scatter [tilespmem:s26], [sflag:s0], $0x400, s22, s24, $0x38;
	[tilespmem:$0x1E400] =	vst v63  }
0x1c0: {  	s0 =	sadd.s32 $0xFFFFFFFF, s31  }
0x1c1: {  	p0 =	sgt.u32 s0, $0x1C  }
.Ltmp5:
0x1c2: {  	_ = 	snop;
	(pc) =	sbr.rel @!p0 .LBB2_5-.Ltmp5, $1  }
0x1c3: {  	_ =	sdelay $0x3  }
0x1c4: {  	p0 =	sgt.u32 s31, $0x1D  }
.Ltmp6:
0x1c5: {  	_ = 	snop;
	(pc) =	sbr.rel @p0 .LBB2_8-.Ltmp6, $4  }
.Ltmp7:
0x1c6: {  	_ = 	snop;
	(pc) =	sbr.rel @!p0 .LBB2_7-.Ltmp7, $4  }
0x1c7: {  	_ = 	snop  }
0x1c8: {  	_ = 	snop  }
0x1c9: {  	_ = 	snop  }
0x1ca: {  	_ = 	snop  }
.LBB2_10:
0x1cb: {  	_ =	sfence.sel $0x180000  }
0x1cc: {  	[bflag:$0x0] =	sbarrier.arrive $0xFFFF  }
0x1cd: {  	_ =	strace $0x90000047  }
0x1ce: {  	s0 =	stileid.u32;
	[bflag:$0x2] =	sbarrier.arrive $0xFFFF  }
0x1cf: {  	p0 =	sne.s32 s0, $0x0;
	s0 =	rddreg [dreg:$0x4]  }
0x1d0: {  	s0 =	sadd.s32 @!p0 $0x100000, s0  }
0x1d1: {  	[sflag:s0] =	ssyncadd.tile.s32 @!p0 $0x1;
	_ =	shalt  }
.Lfunc_end2:
_tile_overlayer_lowered:
.L_overlay_start_2:
0x1d2: {  	(tag) =	ssettag $0x2  }
0x1d3: {  	s0 =	rddreg [dreg:$0x0];
	s2 =	stileid.u32  }
0x1d4: {  	s1 =	rddreg [dreg:$0x1];
	p0 =	sne.s32 s2, $0x0  }
0x1d5: {  	s3 =	rddreg [dreg:$0x2];
	[bflag:$0x3] =	sbarrier.arrive $0xFFFF;
	s2 =	simm.s32 @!p0 $0x1C07  }
0x1d6: {  	[timem:s3], [sflag:s2] =	dma.local @!p0 [hbm:s0], s1  }
0x1d7: {  	s0 =	simm.s32 @!p0 $0x7  }
0x1d8: {  	_ =	swait.ge @!p0 [sflag:s0], s1  }
0x1d9: {  	s1 =	ssub.s32 @!p0 $0x0, s1;
	[sflag:s0] =	ssyncset.done @!p0 $0x0  }
0x1da: {  	[sflag:s0] =	ssyncadd.s32 @!p0 s1  }
0x1db: {  	[bflag:$0x3] =	sbarrier.arrive $0xFFFF  }
0x1dc: {  	_ =	shalt  }

</sc_bundles>
